<compile_context>
chip_gen: v7x
topology: tpu7x:2x2x1
jax: 0.10.2.dev20260603
libtpu: 0.0.44.dev20260713+nightly
codegen_flags: <defaults>
</compile_context>

<pallas_src>
import functools

import jax
import jax.numpy as jnp
from jax import lax
from jax.experimental import pallas as pl
from jax.experimental.pallas import tpu as pltpu
from jax.experimental.pallas import tpu_sc as plsc

N = 10000
D = 128
E = 320000
NC = 2
NS = 16
NP = 10240
NQ = 2560
ARPT = NQ // NS
KCH = 128
CHUNKS = 2560
EPAD = CHUNKS * KCH
PGRP = CHUNKS // NS
SLOTS = 4
NGRP = PGRP // SLOTS
IGN = 1 << 30


@functools.cache
def _sc_mesh():
    return plsc.VectorSubcoreMesh(
        core_axis_name="c", subcore_axis_name="s", num_cores=NC,
        num_subcores=NS,
    )


@functools.cache
def _prop_kernel():
    return pl.kernel(
        _prop_body,
        out_type=jax.ShapeDtypeStruct((NC, NQ, D), jnp.float32),
        mesh=_sc_mesh(),
        scratch_types=[
            pltpu.VMEM((PGRP, KCH), jnp.int32),
            pltpu.VMEM((PGRP, KCH), jnp.int32),
            pltpu.VMEM((SLOTS, KCH, D), jnp.float32),
            pltpu.VMEM((16, D), jnp.float32),
            pltpu.VMEM_SHARED((NQ, D), jnp.float32),
            pltpu.SemaphoreType.DMA,
        ],
    )


def _prop_body(tab_hbm, src_hbm, dst_hbm, out_hbm, src_v, dst_v, rows_v,
               zb_v, acc_sp, sem):
    c = lax.axis_index("c")
    s = lax.axis_index("s")
    for i in range(16):
        for l in range(D // 16):
            zb_v[i, pl.ds(l * 16, 16)] = jnp.zeros((16,), jnp.float32)

    def zero_step(k, carry):
        pltpu.sync_copy(zb_v, acc_sp.at[pl.ds(s * ARPT + k * 16, 16)])
        return carry

    lax.fori_loop(0, ARPT // 16, zero_step, 0)
    pltpu.sync_copy(src_hbm.at[c, pl.ds(s * PGRP, PGRP)], src_v)
    pltpu.sync_copy(dst_hbm.at[c, pl.ds(s * PGRP, PGRP)], dst_v)
    plsc.subcore_barrier()

    def group_step(g, carry):
        base = g * SLOTS
        gats = [
            pltpu.async_copy(
                tab_hbm.at[plsc.Indices(src_v.at[base + b],
                                        ignored_value=IGN)],
                rows_v.at[b], sem)
            for b in range(SLOTS)
        ]
        for d in gats:
            d.wait()
        for b in range(SLOTS):
            pltpu.sync_copy(
                rows_v.at[b],
                acc_sp.at[plsc.Indices(dst_v.at[base + b],
                                       ignored_value=IGN)],
                add=True)
        return carry

    lax.fori_loop(0, NGRP, group_step, 0)
    plsc.subcore_barrier()
    pltpu.sync_copy(
        acc_sp.at[pl.ds(s * ARPT, ARPT)], out_hbm.at[c, pl.ds(s * ARPT, ARPT)]
    )


def _dis_from_onehot(acc):

    def body(acc_ref, dis_ref):
        cols = [
            acc_ref[0, :, 32 * q:32 * q + 1] + acc_ref[1, :, 32 * q:32 * q + 1]
            for q in range(4)
        ]
        deg = jnp.concatenate(cols, axis=0)[0:N] + 1.0
        dis_ref[...] = lax.rsqrt(deg)

    return pl.pallas_call(
        body, out_shape=jax.ShapeDtypeStruct((N, 1), jnp.float32)
    )(acc)


def _dense_pre(h, w, dis):

    def body(h_ref, w_ref, dis_ref, tab_ref):
        tmp = jnp.dot(h_ref[...], w_ref[...],
                      preferred_element_type=jnp.float32)
        tab_ref[0:N, :] = tmp * dis_ref[...]
        tab_ref[N:NP, :] = jnp.zeros((NP - N, D), jnp.float32)

    return pl.pallas_call(
        body, out_shape=jax.ShapeDtypeStruct((NP, D), jnp.float32)
    )(h, w, dis)


def _dense_post(acca, accb, tab, dis, b, g, be):

    def body(acca_ref, accb_ref, tab_ref, dis_ref, b_ref, g_ref, be_ref,
             h_ref):
        dis = dis_ref[...]
        accfull = jnp.concatenate(
            [acca_ref[0, 0:NQ, :], acca_ref[1, 0:NQ, :],
             accb_ref[0, 0:NQ, :], accb_ref[1, 0:N - 3 * NQ, :]], axis=0
        )
        pre = dis * (accfull + tab_ref[0:N, :]) + b_ref[...]
        mu = jnp.mean(pre, axis=0, keepdims=True)
        xc = pre - mu
        var = jnp.mean(xc * xc, axis=0, keepdims=True)
        bn = g_ref[...] * (xc / jnp.sqrt(var + 1e-5)) + be_ref[...]
        h_ref[...] = jnp.where(bn > 0, bn, jnp.exp(bn) - 1.0)

    return pl.pallas_call(
        body, out_shape=jax.ShapeDtypeStruct((N, D), jnp.float32)
    )(acca, accb, tab, dis, b, g, be)


def kernel(x, edge_index, W1, b1, g1, be1, W2, b2, g2, be2):
    src = edge_index[0].astype(jnp.int32)
    dst = edge_index[1].astype(jnp.int32)
    pad = jnp.full((EPAD - E,), N, jnp.int32)
    src1 = jnp.concatenate([src, pad])
    dst1 = jnp.concatenate([dst, pad])

    def maskedq(q):
        base = q * NQ
        inq = (dst1 >= base) & (dst1 < base + NQ)
        s = jnp.where(inq, src1, IGN)
        d = jnp.where(inq, dst1 - base, IGN)
        return (s.reshape(CHUNKS, KCH), d.reshape(CHUNKS, KCH))

    q0, q1, q2, q3 = (maskedq(q) for q in range(4))
    src_pa = jnp.stack([q0[0], q1[0]])
    dst_pa = jnp.stack([q0[1], q1[1]])
    src_pb = jnp.stack([q2[0], q3[0]])
    dst_pb = jnp.stack([q2[1], q3[1]])

    pos = jnp.arange(EPAD, dtype=jnp.int32)
    halves = [(pos < EPAD // 2), (pos >= EPAD // 2)]
    sdeg, ddeg = [], []
    for c in range(NC):
        valid = halves[c] & (dst1 < N)
        sdeg.append(jnp.where(valid, dst1 // NQ, IGN).reshape(CHUNKS, KCH))
        ddeg.append(jnp.where(valid, dst1 % NQ, IGN).reshape(CHUNKS, KCH))
    src_dg = jnp.stack(sdeg)
    dst_dg = jnp.stack(ddeg)

    src_x = jnp.stack([src_dg, src_pa, src_pb, src_pa, src_pb])
    dst_x = jnp.stack([dst_dg, dst_pa, dst_pb, dst_pa, dst_pb])

    ws = jnp.stack([W1, W1, W1, W2, W2])
    bs = jnp.stack([b1, b1, b1, b2, b2]).reshape(5, 1, D)
    gs = jnp.stack([g1, g1, g1, g2, g2]).reshape(5, 1, D)
    bes = jnp.stack([be1, be1, be1, be2, be2]).reshape(5, 1, D)
    f_ones = jnp.asarray([1, 0, 0, 0, 0], jnp.float32)
    f_fresh = jnp.asarray([0, 1, 0, 1, 0], jnp.float32)
    f_dis = jnp.asarray([1, 0, 0, 0, 0], jnp.float32)
    f_hout = jnp.asarray([0, 0, 1, 0, 1], jnp.float32)

    oh = jnp.zeros((NP, D), jnp.float32)
    for q in range(4):
        oh = oh.at[q, 32 * q:32 * (q + 1)].set(1.0)

    def step(carry, xi):
        h, tab, acca, dis = carry
        w, b, g, be, srci, dsti, fo, ff, fd, fh = xi
        tab_new = _dense_pre(h, w, dis)
        tab_use = jnp.where(fo > 0, oh, jnp.where(ff > 0, tab_new, tab))
        acc = _prop_kernel()(tab_use, srci, dsti)
        dis_new = _dis_from_onehot(acc)
        dis_next = jnp.where(fd > 0, dis_new, dis)
        h_new = _dense_post(acca, acc, tab_use, dis_next, b, g, be)
        h_next = jnp.where(fh > 0, h_new, h)
        return (h_next, tab_use, acc, dis_next), h_next

    zt = jnp.zeros((NP, D), jnp.float32)
    za = jnp.zeros((NC, NQ, D), jnp.float32)
    dis0 = jnp.ones((N, 1), jnp.float32)
    _, hs = lax.scan(
        step, (x, zt, za, dis0),
        (ws, bs, gs, bes, src_x, dst_x, f_ones, f_fresh, f_dis, f_hout))
    return (x, hs[2], hs[4])

# --- scband reference (transcript-rebuilt; emitter-appended) ---
"""Pipeline reference for scband-gnnencoder-29781303230870 (READ-ONLY COPY).

The authoritative reference and input builder live on the scoring server;
editing this copy changes nothing except your own understanding.
"""

import jax, jax.numpy as jnp
import numpy as np

N = 10000
E = 320000
D = 128


def gcn_conv(x, src, dst, W, b, num_nodes):
    # GCNConv: linear transform first, then normalized propagation with self-loops
    h = x @ W
    loop = jnp.arange(num_nodes, dtype=src.dtype)
    src2 = jnp.concatenate([src, loop])
    dst2 = jnp.concatenate([dst, loop])
    deg = jnp.zeros((num_nodes,), x.dtype).at[dst2].add(1.0)
    deg_inv_sqrt = jnp.where(deg > 0, 1.0 / jnp.sqrt(deg), 0.0)
    norm = deg_inv_sqrt[src2] * deg_inv_sqrt[dst2]
    msg = h[src2] * norm[:, None]
    out = jnp.zeros((num_nodes, h.shape[1]), x.dtype).at[dst2].add(msg)
    return out + b


def batchnorm(x, gamma, beta, eps=1e-5):
    mu = jnp.mean(x, axis=0)
    var = jnp.var(x, axis=0)
    return gamma * (x - mu) / jnp.sqrt(var + eps) + beta


def setup_inputs(seed: int = 0) -> dict:
    key = jax.random.key(seed)
    ks = jax.random.split(key, 10)
    x = jax.random.normal(ks[0], (N, D), dtype=jnp.float32)
    edge_index = jax.random.randint(ks[1], (2, E), 0, N, dtype=jnp.int64)
    scale = 1.0 / np.sqrt(D)
    W1 = jax.random.normal(ks[2], (D, D), dtype=jnp.float32) * scale
    b1 = jnp.zeros((D,), dtype=jnp.float32)
    g1 = jnp.ones((D,), dtype=jnp.float32)
    be1 = jnp.zeros((D,), dtype=jnp.float32)
    W2 = jax.random.normal(ks[3], (D, D), dtype=jnp.float32) * scale
    b2 = jnp.zeros((D,), dtype=jnp.float32)
    g2 = jnp.ones((D,), dtype=jnp.float32)
    be2 = jnp.zeros((D,), dtype=jnp.float32)
    return {"x": x, "edge_index": edge_index, "W1": W1, "b1": b1, "g1": g1, "be1": be1, "W2": W2, "b2": b2, "g2": g2, "be2": be2}


def reference(x, edge_index, W1, b1, g1, be1, W2, b2, g2, be2):
    # Dropout is identity in reference (inference); each block: dropout -> GCNConv -> BatchNorm -> ELU
    src = edge_index[0]
    dst = edge_index[1]
    num_nodes = x.shape[0]
    h1 = jax.nn.elu(batchnorm(gcn_conv(x, src, dst, W1, b1, num_nodes), g1, be1))
    h2 = jax.nn.elu(batchnorm(gcn_conv(h1, src, dst, W2, b2, num_nodes), g2, be2))
    # forward returns list of per-layer outputs including the input
    return (x, h1, h2)

if __name__ == "__main__":
    import jax
    _d = setup_inputs()
    print(jax.jit(kernel)(*tuple(_d.values())))

</pallas_src>

<mosaic_0001>
#map = affine_map<(d0, d1) -> (0, 0)>
#map1 = affine_map<(d0, d1) -> (0, 0, 0)>
module attributes {stable_mosaic.version = 14 : i64} {
  func.func @_prop_body(%arg0: i32, %arg1: i32, %arg2: memref<10240x128xf32, #tpu.memory_space<hbm>>, %arg3: memref<2x2560x128xi32, #tpu.memory_space<hbm>>, %arg4: memref<2x2560x128xi32, #tpu.memory_space<hbm>>, %arg5: memref<2x2560x128xf32, #tpu.memory_space<hbm>>, %arg6: memref<160x128xi32, #tpu.memory_space<vmem>>, %arg7: memref<160x128xi32, #tpu.memory_space<vmem>>, %arg8: memref<4x128x128xf32, #tpu.memory_space<vmem>>, %arg9: memref<16x128xf32, #tpu.memory_space<vmem>>, %arg10: memref<2560x128xf32, #tpu.memory_space<vmem_shared>>, %arg11: memref<!tpu.dma_semaphore, #tpu.memory_space<semaphore_mem>>) attributes {dimension_semantics = [#tpu.dimension_semantics<core_parallel>, #tpu.dimension_semantics<subcore_parallel>], iteration_bounds = array<i64: 2, 16>, scalar_prefetch = 0 : i64, scratch_operands = 6 : i64, tpu.core_type = #tpu.core_type<sc_vector_subcore>, window_params = [{transform_indices = #map}, {transform_indices = #map1}, {transform_indices = #map1}, {transform_indices = #map1}]} {
    %broadcast_in_dim3A = arith.constant 0.000000e+00 : f32
    %broadcast_in_dim3A_0 = vector.broadcast %broadcast_in_dim3A : f32 to vector<16xf32>
    %swap3A = arith.constant 0 : i32
    %swap3A_1 = arith.index_cast %swap3A : i32 to index
    %swap3A_2 = arith.constant 0 : index
    %swap3A_3 = tpu.vector_load %arg9[%swap3A_1, %swap3A_2] {strides = array<i32>} : memref<16x128xf32, #tpu.memory_space<vmem>>, vector<1x16xf32>,
    %swap3A_4 = vector.shape_cast %swap3A_3 : vector<1x16xf32> to vector<16xf32>
    %swap3A_5 = vector.shape_cast %broadcast_in_dim3A_0 : vector<16xf32> to vector<1x16xf32>
    tpu.vector_store %arg9[%swap3A_1, %swap3A_2], %swap3A_5 {strides = array<i32>} : memref<16x128xf32, #tpu.memory_space<vmem>>, vector<1x16xf32>,
    %broadcast_in_dim3A_6 = arith.constant 0.000000e+00 : f32
    %broadcast_in_dim3A_7 = vector.broadcast %broadcast_in_dim3A_6 : f32 to vector<16xf32>
    %swap3A_8 = arith.constant 0 : i32
    %swap3A_9 = arith.index_cast %swap3A_8 : i32 to index
    %swap3A_10 = arith.constant 16 : index
    %swap3A_11 = tpu.vector_load %arg9[%swap3A_9, %swap3A_10] {strides = array<i32>} : memref<16x128xf32, #tpu.memory_space<vmem>>, vector<1x16xf32>,
    %swap3A_12 = vector.shape_cast %swap3A_11 : vector<1x16xf32> to vector<16xf32>
    %swap3A_13 = vector.shape_cast %broadcast_in_dim3A_7 : vector<16xf32> to vector<1x16xf32>
    tpu.vector_store %arg9[%swap3A_9, %swap3A_10], %swap3A_13 {strides = array<i32>} : memref<16x128xf32, #tpu.memory_space<vmem>>, vector<1x16xf32>,
    %broadcast_in_dim3A_14 = arith.constant 0.000000e+00 : f32
    %broadcast_in_dim3A_15 = vector.broadcast %broadcast_in_dim3A_14 : f32 to vector<16xf32>
    %swap3A_16 = arith.constant 0 : i32
    %swap3A_17 = arith.index_cast %swap3A_16 : i32 to index
    %swap3A_18 = arith.constant 32 : index
    %swap3A_19 = tpu.vector_load %arg9[%swap3A_17, %swap3A_18] {strides = array<i32>} : memref<16x128xf32, #tpu.memory_space<vmem>>, vector<1x16xf32>,
    %swap3A_20 = vector.shape_cast %swap3A_19 : vector<1x16xf32> to vector<16xf32>
    %swap3A_21 = vector.shape_cast %broadcast_in_dim3A_15 : vector<16xf32> to vector<1x16xf32>
    tpu.vector_store %arg9[%swap3A_17, %swap3A_18], %swap3A_21 {strides = array<i32>} : memref<16x128xf32, #tpu.memory_space<vmem>>, vector<1x16xf32>,
    %broadcast_in_dim3A_22 = arith.constant 0.000000e+00 : f32
    %broadcast_in_dim3A_23 = vector.broadcast %broadcast_in_dim3A_22 : f32 to vector<16xf32>
    %swap3A_24 = arith.constant 0 : i32
    %swap3A_25 = arith.index_cast %swap3A_24 : i32 to index
    %swap3A_26 = arith.constant 48 : index
    %swap3A_27 = tpu.vector_load %arg9[%swap3A_25, %swap3A_26] {strides = array<i32>} : memref<16x128xf32, #tpu.memory_space<vmem>>, vector<1x16xf32>,
    %swap3A_28 = vector.shape_cast %swap3A_27 : vector<1x16xf32> to vector<16xf32>
    %swap3A_29 = vector.shape_cast %broadcast_in_dim3A_23 : vector<16xf32> to vector<1x16xf32>
    tpu.vector_store %arg9[%swap3A_25, %swap3A_26], %swap3A_29 {strides = array<i32>} : memref<16x128xf32, #tpu.memory_space<vmem>>, vector<1x16xf32>,
    %broadcast_in_dim3A_30 = arith.constant 0.000000e+00 : f32
    %broadcast_in_dim3A_31 = vector.broadcast %broadcast_in_dim3A_30 : f32 to vector<16xf32>
    %swap3A_32 = arith.constant 0 : i32
    %swap3A_33 = arith.index_cast %swap3A_32 : i32 to index
    %swap3A_34 = arith.constant 64 : index
    %swap3A_35 = tpu.vector_load %arg9[%swap3A_33, %swap3A_34] {strides = array<i32>} : memref<16x128xf32, #tpu.memory_space<vmem>>, vector<1x16xf32>,
    %swap3A_36 = vector.shape_cast %swap3A_35 : vector<1x16xf32> to vector<16xf32>
    %swap3A_37 = vector.shape_cast %broadcast_in_dim3A_31 : vector<16xf32> to vector<1x16xf32>
    tpu.vector_store %arg9[%swap3A_33, %swap3A_34], %swap3A_37 {strides = array<i32>} : memref<16x128xf32, #tpu.memory_space<vmem>>, vector<1x16xf32>,
    %broadcast_in_dim3A_38 = arith.constant 0.000000e+00 : f32
    %broadcast_in_dim3A_39 = vector.broadcast %broadcast_in_dim3A_38 : f32 to vector<16xf32>
    %swap3A_40 = arith.constant 0 : i32
    %swap3A_41 = arith.index_cast %swap3A_40 : i32 to index
    %swap3A_42 = arith.constant 80 : index
    %swap3A_43 = tpu.vector_load %arg9[%swap3A_41, %swap3A_42] {strides = array<i32>} : memref<16x128xf32, #tpu.memory_space<vmem>>, vector<1x16xf32>,
    %swap3A_44 = vector.shape_cast %swap3A_43 : vector<1x16xf32> to vector<16xf32>
    %swap3A_45 = vector.shape_cast %broadcast_in_dim3A_39 : vector<16xf32> to vector<1x16xf32>
    tpu.vector_store %arg9[%swap3A_41, %swap3A_42], %swap3A_45 {strides = array<i32>} : memref<16x128xf32, #tpu.memory_space<vmem>>, vector<1x16xf32>,
    %broadcast_in_dim3A_46 = arith.constant 0.000000e+00 : f32
    %broadcast_in_dim3A_47 = vector.broadcast %broadcast_in_dim3A_46 : f32 to vector<16xf32>
    %swap3A_48 = arith.constant 0 : i32
    %swap3A_49 = arith.index_cast %swap3A_48 : i32 to index
    %swap3A_50 = arith.constant 96 : index
    %swap3A_51 = tpu.vector_load %arg9[%swap3A_49, %swap3A_50] {strides = array<i32>} : memref<16x128xf32, #tpu.memory_space<vmem>>, vector<1x16xf32>,
    %swap3A_52 = vector.shape_cast %swap3A_51 : vector<1x16xf32> to vector<16xf32>
    %swap3A_53 = vector.shape_cast %broadcast_in_dim3A_47 : vector<16xf32> to vector<1x16xf32>
    tpu.vector_store %arg9[%swap3A_49, %swap3A_50], %swap3A_53 {strides = array<i32>} : memref<16x128xf32, #tpu.memory_space<vmem>>, vector<1x16xf32>,
    %broadcast_in_dim3A_54 = arith.constant 0.000000e+00 : f32
    %broadcast_in_dim3A_55 = vector.broadcast %broadcast_in_dim3A_54 : f32 to vector<16xf32>
    %swap3A_56 = arith.constant 0 : i32
    %swap3A_57 = arith.index_cast %swap3A_56 : i32 to index
    %swap3A_58 = arith.constant 112 : index
    %swap3A_59 = tpu.vector_load %arg9[%swap3A_57, %swap3A_58] {strides = array<i32>} : memref<16x128xf32, #tpu.memory_space<vmem>>, vector<1x16xf32>,
    %swap3A_60 = vector.shape_cast %swap3A_59 : vector<1x16xf32> to vector<16xf32>
    %swap3A_61 = vector.shape_cast %broadcast_in_dim3A_55 : vector<16xf32> to vector<1x16xf32>
    tpu.vector_store %arg9[%swap3A_57, %swap3A_58], %swap3A_61 {strides = array<i32>} : memref<16x128xf32, #tpu.memory_space<vmem>>, vector<1x16xf32>,
    %broadcast_in_dim3A_62 = arith.constant 0.000000e+00 : f32
    %broadcast_in_dim3A_63 = vector.broadcast %broadcast_in_dim3A_62 : f32 to vector<16xf32>
    %swap3A_64 = arith.constant 1 : i32
    %swap3A_65 = arith.index_cast %swap3A_64 : i32 to index
    %swap3A_66 = arith.constant 0 : index
    %swap3A_67 = tpu.vector_load %arg9[%swap3A_65, %swap3A_66] {strides = array<i32>} : memref<16x128xf32, #tpu.memory_space<vmem>>, vector<1x16xf32>,
    %swap3A_68 = vector.shape_cast %swap3A_67 : vector<1x16xf32> to vector<16xf32>
    %swap3A_69 = vector.shape_cast %broadcast_in_dim3A_63 : vector<16xf32> to vector<1x16xf32>
    tpu.vector_store %arg9[%swap3A_65, %swap3A_66], %swap3A_69 {strides = array<i32>} : memref<16x128xf32, #tpu.memory_space<vmem>>, vector<1x16xf32>,
    %broadcast_in_dim3A_70 = arith.constant 0.000000e+00 : f32
    %broadcast_in_dim3A_71 = vector.broadcast %broadcast_in_dim3A_70 : f32 to vector<16xf32>
    %swap3A_72 = arith.constant 1 : i32
    %swap3A_73 = arith.index_cast %swap3A_72 : i32 to index
    %swap3A_74 = arith.constant 16 : index
    %swap3A_75 = tpu.vector_load %arg9[%swap3A_73, %swap3A_74] {strides = array<i32>} : memref<16x128xf32, #tpu.memory_space<vmem>>, vector<1x16xf32>,
    %swap3A_76 = vector.shape_cast %swap3A_75 : vector<1x16xf32> to vector<16xf32>
    %swap3A_77 = vector.shape_cast %broadcast_in_dim3A_71 : vector<16xf32> to vector<1x16xf32>
    tpu.vector_store %arg9[%swap3A_73, %swap3A_74], %swap3A_77 {strides = array<i32>} : memref<16x128xf32, #tpu.memory_space<vmem>>, vector<1x16xf32>,
    %broadcast_in_dim3A_78 = arith.constant 0.000000e+00 : f32
    %broadcast_in_dim3A_79 = vector.broadcast %broadcast_in_dim3A_78 : f32 to vector<16xf32>
    %swap3A_80 = arith.constant 1 : i32
    %swap3A_81 = arith.index_cast %swap3A_80 : i32 to index
    %swap3A_82 = arith.constant 32 : index
    %swap3A_83 = tpu.vector_load %arg9[%swap3A_81, %swap3A_82] {strides = array<i32>} : memref<16x128xf32, #tpu.memory_space<vmem>>, vector<1x16xf32>,
    %swap3A_84 = vector.shape_cast %swap3A_83 : vector<1x16xf32> to vector<16xf32>
    %swap3A_85 = vector.shape_cast %broadcast_in_dim3A_79 : vector<16xf32> to vector<1x16xf32>
    tpu.vector_store %arg9[%swap3A_81, %swap3A_82], %swap3A_85 {strides = array<i32>} : memref<16x128xf32, #tpu.memory_space<vmem>>, vector<1x16xf32>,
    %broadcast_in_dim3A_86 = arith.constant 0.000000e+00 : f32
    %broadcast_in_dim3A_87 = vector.broadcast %broadcast_in_dim3A_86 : f32 to vector<16xf32>
    %swap3A_88 = arith.constant 1 : i32
    %swap3A_89 = arith.index_cast %swap3A_88 : i32 to index
    %swap3A_90 = arith.constant 48 : index
    %swap3A_91 = tpu.vector_load %arg9[%swap3A_89, %swap3A_90] {strides = array<i32>} : memref<16x128xf32, #tpu.memory_space<vmem>>, vector<1x16xf32>,
    %swap3A_92 = vector.shape_cast %swap3A_91 : vector<1x16xf32> to vector<16xf32>
    %swap3A_93 = vector.shape_cast %broadcast_in_dim3A_87 : vector<16xf32> to vector<1x16xf32>
    tpu.vector_store %arg9[%swap3A_89, %swap3A_90], %swap3A_93 {strides = array<i32>} : memref<16x128xf32, #tpu.memory_space<vmem>>, vector<1x16xf32>,
    %broadcast_in_dim3A_94 = arith.constant 0.000000e+00 : f32
    %broadcast_in_dim3A_95 = vector.broadcast %broadcast_in_dim3A_94 : f32 to vector<16xf32>
    %swap3A_96 = arith.constant 1 : i32
    %swap3A_97 = arith.index_cast %swap3A_96 : i32 to index
    %swap3A_98 = arith.constant 64 : index
    %swap3A_99 = tpu.vector_load %arg9[%swap3A_97, %swap3A_98] {strides = array<i32>} : memref<16x128xf32, #tpu.memory_space<vmem>>, vector<1x16xf32>,
    %swap3A_100 = vector.shape_cast %swap3A_99 : vector<1x16xf32> to vector<16xf32>
    %swap3A_101 = vector.shape_cast %broadcast_in_dim3A_95 : vector<16xf32> to vector<1x16xf32>
    tpu.vector_store %arg9[%swap3A_97, %swap3A_98], %swap3A_101 {strides = array<i32>} : memref<16x128xf32, #tpu.memory_space<vmem>>, vector<1x16xf32>,
    %broadcast_in_dim3A_102 = arith.constant 0.000000e+00 : f32
    %broadcast_in_dim3A_103 = vector.broadcast %broadcast_in_dim3A_102 : f32 to vector<16xf32>
    %swap3A_104 = arith.constant 1 : i32
    %swap3A_105 = arith.index_cast %swap3A_104 : i32 to index
    %swap3A_106 = arith.constant 80 : index
    %swap3A_107 = tpu.vector_load %arg9[%swap3A_105, %swap3A_106] {strides = array<i32>} : memref<16x128xf32, #tpu.memory_space<vmem>>, vector<1x16xf32>,
    %swap3A_108 = vector.shape_cast %swap3A_107 : vector<1x16xf32> to vector<16xf32>
    %swap3A_109 = vector.shape_cast %broadcast_in_dim3A_103 : vector<16xf32> to vector<1x16xf32>
    tpu.vector_store %arg9[%swap3A_105, %swap3A_106], %swap3A_109 {strides = array<i32>} : memref<16x128xf32, #tpu.memory_space<vmem>>, vector<1x16xf32>,
    %broadcast_in_dim3A_110 = arith.constant 0.000000e+00 : f32
    %broadcast_in_dim3A_111 = vector.broadcast %broadcast_in_dim3A_110 : f32 to vector<16xf32>
    %swap3A_112 = arith.constant 1 : i32
    %swap3A_113 = arith.index_cast %swap3A_112 : i32 to index
    %swap3A_114 = arith.constant 96 : index
    %swap3A_115 = tpu.vector_load %arg9[%swap3A_113, %swap3A_114] {strides = array<i32>} : memref<16x128xf32, #tpu.memory_space<vmem>>, vector<1x16xf32>,
    %swap3A_116 = vector.shape_cast %swap3A_115 : vector<1x16xf32> to vector<16xf32>
    %swap3A_117 = vector.shape_cast %broadcast_in_dim3A_111 : vector<16xf32> to vector<1x16xf32>
    tpu.vector_store %arg9[%swap3A_113, %swap3A_114], %swap3A_117 {strides = array<i32>} : memref<16x128xf32, #tpu.memory_space<vmem>>, vector<1x16xf32>,
    %broadcast_in_dim3A_118 = arith.constant 0.000000e+00 : f32
    %broadcast_in_dim3A_119 = vector.broadcast %broadcast_in_dim3A_118 : f32 to vector<16xf32>
    %swap3A_120 = arith.constant 1 : i32
    %swap3A_121 = arith.index_cast %swap3A_120 : i32 to index
    %swap3A_122 = arith.constant 112 : index
    %swap3A_123 = tpu.vector_load %arg9[%swap3A_121, %swap3A_122] {strides = array<i32>} : memref<16x128xf32, #tpu.memory_space<vmem>>, vector<1x16xf32>,
    %swap3A_124 = vector.shape_cast %swap3A_123 : vector<1x16xf32> to vector<16xf32>
    %swap3A_125 = vector.shape_cast %broadcast_in_dim3A_119 : vector<16xf32> to vector<1x16xf32>
    tpu.vector_store %arg9[%swap3A_121, %swap3A_122], %swap3A_125 {strides = array<i32>} : memref<16x128xf32, #tpu.memory_space<vmem>>, vector<1x16xf32>,
    %broadcast_in_dim3A_126 = arith.constant 0.000000e+00 : f32
    %broadcast_in_dim3A_127 = vector.broadcast %broadcast_in_dim3A_126 : f32 to vector<16xf32>
    %swap3A_128 = arith.constant 2 : i32
    %swap3A_129 = arith.index_cast %swap3A_128 : i32 to index
    %swap3A_130 = arith.constant 0 : index
    %swap3A_131 = tpu.vector_load %arg9[%swap3A_129, %swap3A_130] {strides = array<i32>} : memref<16x128xf32, #tpu.memory_space<vmem>>, vector<1x16xf32>,
    %swap3A_132 = vector.shape_cast %swap3A_131 : vector<1x16xf32> to vector<16xf32>
    %swap3A_133 = vector.shape_cast %broadcast_in_dim3A_127 : vector<16xf32> to vector<1x16xf32>
    tpu.vector_store %arg9[%swap3A_129, %swap3A_130], %swap3A_133 {strides = array<i32>} : memref<16x128xf32, #tpu.memory_space<vmem>>, vector<1x16xf32>,
    %broadcast_in_dim3A_134 = arith.constant 0.000000e+00 : f32
    %broadcast_in_dim3A_135 = vector.broadcast %broadcast_in_dim3A_134 : f32 to vector<16xf32>
    %swap3A_136 = arith.constant 2 : i32
    %swap3A_137 = arith.index_cast %swap3A_136 : i32 to index
    %swap3A_138 = arith.constant 16 : index
    %swap3A_139 = tpu.vector_load %arg9[%swap3A_137, %swap3A_138] {strides = array<i32>} : memref<16x128xf32, #tpu.memory_space<vmem>>, vector<1x16xf32>,
    %swap3A_140 = vector.shape_cast %swap3A_139 : vector<1x16xf32> to vector<16xf32>
    %swap3A_141 = vector.shape_cast %broadcast_in_dim3A_135 : vector<16xf32> to vector<1x16xf32>
    tpu.vector_store %arg9[%swap3A_137, %swap3A_138], %swap3A_141 {strides = array<i32>} : memref<16x128xf32, #tpu.memory_space<vmem>>, vector<1x16xf32>,
    %broadcast_in_dim3A_142 = arith.constant 0.000000e+00 : f32
    %broadcast_in_dim3A_143 = vector.broadcast %broadcast_in_dim3A_142 : f32 to vector<16xf32>
    %swap3A_144 = arith.constant 2 : i32
    %swap3A_145 = arith.index_cast %swap3A_144 : i32 to index
    %swap3A_146 = arith.constant 32 : index
    %swap3A_147 = tpu.vector_load %arg9[%swap3A_145, %swap3A_146] {strides = array<i32>} : memref<16x128xf32, #tpu.memory_space<vmem>>, vector<1x16xf32>,
    %swap3A_148 = vector.shape_cast %swap3A_147 : vector<1x16xf32> to vector<16xf32>
    %swap3A_149 = vector.shape_cast %broadcast_in_dim3A_143 : vector<16xf32> to vector<1x16xf32>
    tpu.vector_store %arg9[%swap3A_145, %swap3A_146], %swap3A_149 {strides = array<i32>} : memref<16x128xf32, #tpu.memory_space<vmem>>, vector<1x16xf32>,
    %broadcast_in_dim3A_150 = arith.constant 0.000000e+00 : f32
    %broadcast_in_dim3A_151 = vector.broadcast %broadcast_in_dim3A_150 : f32 to vector<16xf32>
    %swap3A_152 = arith.constant 2 : i32
    %swap3A_153 = arith.index_cast %swap3A_152 : i32 to index
    %swap3A_154 = arith.constant 48 : index
    %swap3A_155 = tpu.vector_load %arg9[%swap3A_153, %swap3A_154] {strides = array<i32>} : memref<16x128xf32, #tpu.memory_space<vmem>>, vector<1x16xf32>,
    %swap3A_156 = vector.shape_cast %swap3A_155 : vector<1x16xf32> to vector<16xf32>
    %swap3A_157 = vector.shape_cast %broadcast_in_dim3A_151 : vector<16xf32> to vector<1x16xf32>
    tpu.vector_store %arg9[%swap3A_153, %swap3A_154], %swap3A_157 {strides = array<i32>} : memref<16x128xf32, #tpu.memory_space<vmem>>, vector<1x16xf32>,
    %broadcast_in_dim3A_158 = arith.constant 0.000000e+00 : f32
    %broadcast_in_dim3A_159 = vector.broadcast %broadcast_in_dim3A_158 : f32 to vector<16xf32>
    %swap3A_160 = arith.constant 2 : i32
    %swap3A_161 = arith.index_cast %swap3A_160 : i32 to index
    %swap3A_162 = arith.constant 64 : index
    %swap3A_163 = tpu.vector_load %arg9[%swap3A_161, %swap3A_162] {strides = array<i32>} : memref<16x128xf32, #tpu.memory_space<vmem>>, vector<1x16xf32>,
    %swap3A_164 = vector.shape_cast %swap3A_163 : vector<1x16xf32> to vector<16xf32>
    %swap3A_165 = vector.shape_cast %broadcast_in_dim3A_159 : vector<16xf32> to vector<1x16xf32>
    tpu.vector_store %arg9[%swap3A_161, %swap3A_162], %swap3A_165 {strides = array<i32>} : memref<16x128xf32, #tpu.memory_space<vmem>>, vector<1x16xf32>,
    %broadcast_in_dim3A_166 = arith.constant 0.000000e+00 : f32
    %broadcast_in_dim3A_167 = vector.broadcast %broadcast_in_dim3A_166 : f32 to vector<16xf32>
    %swap3A_168 = arith.constant 2 : i32
    %swap3A_169 = arith.index_cast %swap3A_168 : i32 to index
    %swap3A_170 = arith.constant 80 : index
    %swap3A_171 = tpu.vector_load %arg9[%swap3A_169, %swap3A_170] {strides = array<i32>} : memref<16x128xf32, #tpu.memory_space<vmem>>, vector<1x16xf32>,
    %swap3A_172 = vector.shape_cast %swap3A_171 : vector<1x16xf32> to vector<16xf32>
    %swap3A_173 = vector.shape_cast %broadcast_in_dim3A_167 : vector<16xf32> to vector<1x16xf32>
    tpu.vector_store %arg9[%swap3A_169, %swap3A_170], %swap3A_173 {strides = array<i32>} : memref<16x128xf32, #tpu.memory_space<vmem>>, vector<1x16xf32>,
    %broadcast_in_dim3A_174 = arith.constant 0.000000e+00 : f32
    %broadcast_in_dim3A_175 = vector.broadcast %broadcast_in_dim3A_174 : f32 to vector<16xf32>
    %swap3A_176 = arith.constant 2 : i32
    %swap3A_177 = arith.index_cast %swap3A_176 : i32 to index
    %swap3A_178 = arith.constant 96 : index
    %swap3A_179 = tpu.vector_load %arg9[%swap3A_177, %swap3A_178] {strides = array<i32>} : memref<16x128xf32, #tpu.memory_space<vmem>>, vector<1x16xf32>,
    %swap3A_180 = vector.shape_cast %swap3A_179 : vector<1x16xf32> to vector<16xf32>
    %swap3A_181 = vector.shape_cast %broadcast_in_dim3A_175 : vector<16xf32> to vector<1x16xf32>
    tpu.vector_store %arg9[%swap3A_177, %swap3A_178], %swap3A_181 {strides = array<i32>} : memref<16x128xf32, #tpu.memory_space<vmem>>, vector<1x16xf32>,
    %broadcast_in_dim3A_182 = arith.constant 0.000000e+00 : f32
    %broadcast_in_dim3A_183 = vector.broadcast %broadcast_in_dim3A_182 : f32 to vector<16xf32>
    %swap3A_184 = arith.constant 2 : i32
    %swap3A_185 = arith.index_cast %swap3A_184 : i32 to index
    %swap3A_186 = arith.constant 112 : index
    %swap3A_187 = tpu.vector_load %arg9[%swap3A_185, %swap3A_186] {strides = array<i32>} : memref<16x128xf32, #tpu.memory_space<vmem>>, vector<1x16xf32>,
    %swap3A_188 = vector.shape_cast %swap3A_187 : vector<1x16xf32> to vector<16xf32>
    %swap3A_189 = vector.shape_cast %broadcast_in_dim3A_183 : vector<16xf32> to vector<1x16xf32>
    tpu.vector_store %arg9[%swap3A_185, %swap3A_186], %swap3A_189 {strides = array<i32>} : memref<16x128xf32, #tpu.memory_space<vmem>>, vector<1x16xf32>,
    %broadcast_in_dim3A_190 = arith.constant 0.000000e+00 : f32
    %broadcast_in_dim3A_191 = vector.broadcast %broadcast_in_dim3A_190 : f32 to vector<16xf32>
    %swap3A_192 = arith.constant 3 : i32
    %swap3A_193 = arith.index_cast %swap3A_192 : i32 to index
    %swap3A_194 = arith.constant 0 : index
    %swap3A_195 = tpu.vector_load %arg9[%swap3A_193, %swap3A_194] {strides = array<i32>} : memref<16x128xf32, #tpu.memory_space<vmem>>, vector<1x16xf32>,
    %swap3A_196 = vector.shape_cast %swap3A_195 : vector<1x16xf32> to vector<16xf32>
    %swap3A_197 = vector.shape_cast %broadcast_in_dim3A_191 : vector<16xf32> to vector<1x16xf32>
    tpu.vector_store %arg9[%swap3A_193, %swap3A_194], %swap3A_197 {strides = array<i32>} : memref<16x128xf32, #tpu.memory_space<vmem>>, vector<1x16xf32>,
    %broadcast_in_dim3A_198 = arith.constant 0.000000e+00 : f32
    %broadcast_in_dim3A_199 = vector.broadcast %broadcast_in_dim3A_198 : f32 to vector<16xf32>
    %swap3A_200 = arith.constant 3 : i32
    %swap3A_201 = arith.index_cast %swap3A_200 : i32 to index
    %swap3A_202 = arith.constant 16 : index
    %swap3A_203 = tpu.vector_load %arg9[%swap3A_201, %swap3A_202] {strides = array<i32>} : memref<16x128xf32, #tpu.memory_space<vmem>>, vector<1x16xf32>,
    %swap3A_204 = vector.shape_cast %swap3A_203 : vector<1x16xf32> to vector<16xf32>
    %swap3A_205 = vector.shape_cast %broadcast_in_dim3A_199 : vector<16xf32> to vector<1x16xf32>
    tpu.vector_store %arg9[%swap3A_201, %swap3A_202], %swap3A_205 {strides = array<i32>} : memref<16x128xf32, #tpu.memory_space<vmem>>, vector<1x16xf32>,
    %broadcast_in_dim3A_206 = arith.constant 0.000000e+00 : f32
    %broadcast_in_dim3A_207 = vector.broadcast %broadcast_in_dim3A_206 : f32 to vector<16xf32>
    %swap3A_208 = arith.constant 3 : i32
    %swap3A_209 = arith.index_cast %swap3A_208 : i32 to index
    %swap3A_210 = arith.constant 32 : index
    %swap3A_211 = tpu.vector_load %arg9[%swap3A_209, %swap3A_210] {strides = array<i32>} : memref<16x128xf32, #tpu.memory_space<vmem>>, vector<1x16xf32>,
    %swap3A_212 = vector.shape_cast %swap3A_211 : vector<1x16xf32> to vector<16xf32>
    %swap3A_213 = vector.shape_cast %broadcast_in_dim3A_207 : vector<16xf32> to vector<1x16xf32>
    tpu.vector_store %arg9[%swap3A_209, %swap3A_210], %swap3A_213 {strides = array<i32>} : memref<16x128xf32, #tpu.memory_space<vmem>>, vector<1x16xf32>,
    %broadcast_in_dim3A_214 = arith.constant 0.000000e+00 : f32
    %broadcast_in_dim3A_215 = vector.broadcast %broadcast_in_dim3A_214 : f32 to vector<16xf32>
    %swap3A_216 = arith.constant 3 : i32
    %swap3A_217 = arith.index_cast %swap3A_216 : i32 to index
    %swap3A_218 = arith.constant 48 : index
    %swap3A_219 = tpu.vector_load %arg9[%swap3A_217, %swap3A_218] {strides = array<i32>} : memref<16x128xf32, #tpu.memory_space<vmem>>, vector<1x16xf32>,
    %swap3A_220 = vector.shape_cast %swap3A_219 : vector<1x16xf32> to vector<16xf32>
    %swap3A_221 = vector.shape_cast %broadcast_in_dim3A_215 : vector<16xf32> to vector<1x16xf32>
    tpu.vector_store %arg9[%swap3A_217, %swap3A_218], %swap3A_221 {strides = array<i32>} : memref<16x128xf32, #tpu.memory_space<vmem>>, vector<1x16xf32>,
    %broadcast_in_dim3A_222 = arith.constant 0.000000e+00 : f32
    %broadcast_in_dim3A_223 = vector.broadcast %broadcast_in_dim3A_222 : f32 to vector<16xf32>
    %swap3A_224 = arith.constant 3 : i32
    %swap3A_225 = arith.index_cast %swap3A_224 : i32 to index
    %swap3A_226 = arith.constant 64 : index
    %swap3A_227 = tpu.vector_load %arg9[%swap3A_225, %swap3A_226] {strides = array<i32>} : memref<16x128xf32, #tpu.memory_space<vmem>>, vector<1x16xf32>,
    %swap3A_228 = vector.shape_cast %swap3A_227 : vector<1x16xf32> to vector<16xf32>
    %swap3A_229 = vector.shape_cast %broadcast_in_dim3A_223 : vector<16xf32> to vector<1x16xf32>
    tpu.vector_store %arg9[%swap3A_225, %swap3A_226], %swap3A_229 {strides = array<i32>} : memref<16x128xf32, #tpu.memory_space<vmem>>, vector<1x16xf32>,
    %broadcast_in_dim3A_230 = arith.constant 0.000000e+00 : f32
    %broadcast_in_dim3A_231 = vector.broadcast %broadcast_in_dim3A_230 : f32 to vector<16xf32>
    %swap3A_232 = arith.constant 3 : i32
    %swap3A_233 = arith.index_cast %swap3A_232 : i32 to index
    %swap3A_234 = arith.constant 80 : index
    %swap3A_235 = tpu.vector_load %arg9[%swap3A_233, %swap3A_234] {strides = array<i32>} : memref<16x128xf32, #tpu.memory_space<vmem>>, vector<1x16xf32>,
    %swap3A_236 = vector.shape_cast %swap3A_235 : vector<1x16xf32> to vector<16xf32>
    %swap3A_237 = vector.shape_cast %broadcast_in_dim3A_231 : vector<16xf32> to vector<1x16xf32>
    tpu.vector_store %arg9[%swap3A_233, %swap3A_234], %swap3A_237 {strides = array<i32>} : memref<16x128xf32, #tpu.memory_space<vmem>>, vector<1x16xf32>,
    %broadcast_in_dim3A_238 = arith.constant 0.000000e+00 : f32
    %broadcast_in_dim3A_239 = vector.broadcast %broadcast_in_dim3A_238 : f32 to vector<16xf32>
    %swap3A_240 = arith.constant 3 : i32
    %swap3A_241 = arith.index_cast %swap3A_240 : i32 to index
    %swap3A_242 = arith.constant 96 : index
    %swap3A_243 = tpu.vector_load %arg9[%swap3A_241, %swap3A_242] {strides = array<i32>} : memref<16x128xf32, #tpu.memory_space<vmem>>, vector<1x16xf32>,
    %swap3A_244 = vector.shape_cast %swap3A_243 : vector<1x16xf32> to vector<16xf32>
    %swap3A_245 = vector.shape_cast %broadcast_in_dim3A_239 : vector<16xf32> to vector<1x16xf32>
    tpu.vector_store %arg9[%swap3A_241, %swap3A_242], %swap3A_245 {strides = array<i32>} : memref<16x128xf32, #tpu.memory_space<vmem>>, vector<1x16xf32>,
    %broadcast_in_dim3A_246 = arith.constant 0.000000e+00 : f32
    %broadcast_in_dim3A_247 = vector.broadcast %broadcast_in_dim3A_246 : f32 to vector<16xf32>
    %swap3A_248 = arith.constant 3 : i32
    %swap3A_249 = arith.index_cast %swap3A_248 : i32 to index
    %swap3A_250 = arith.constant 112 : index
    %swap3A_251 = tpu.vector_load %arg9[%swap3A_249, %swap3A_250] {strides = array<i32>} : memref<16x128xf32, #tpu.memory_space<vmem>>, vector<1x16xf32>,
    %swap3A_252 = vector.shape_cast %swap3A_251 : vector<1x16xf32> to vector<16xf32>
    %swap3A_253 = vector.shape_cast %broadcast_in_dim3A_247 : vector<16xf32> to vector<1x16xf32>
    tpu.vector_store %arg9[%swap3A_249, %swap3A_250], %swap3A_253 {strides = array<i32>} : memref<16x128xf32, #tpu.memory_space<vmem>>, vector<1x16xf32>,
    %broadcast_in_dim3A_254 = arith.constant 0.000000e+00 : f32
    %broadcast_in_dim3A_255 = vector.broadcast %broadcast_in_dim3A_254 : f32 to vector<16xf32>
    %swap3A_256 = arith.constant 4 : i32
    %swap3A_257 = arith.index_cast %swap3A_256 : i32 to index
    %swap3A_258 = arith.constant 0 : index
    %swap3A_259 = tpu.vector_load %arg9[%swap3A_257, %swap3A_258] {strides = array<i32>} : memref<16x128xf32, #tpu.memory_space<vmem>>, vector<1x16xf32>,
    %swap3A_260 = vector.shape_cast %swap3A_259 : vector<1x16xf32> to vector<16xf32>
    %swap3A_261 = vector.shape_cast %broadcast_in_dim3A_255 : vector<16xf32> to vector<1x16xf32>
    tpu.vector_store %arg9[%swap3A_257, %swap3A_258], %swap3A_261 {strides = array<i32>} : memref<16x128xf32, #tpu.memory_space<vmem>>, vector<1x16xf32>,
    %broadcast_in_dim3A_262 = arith.constant 0.000000e+00 : f32
    %broadcast_in_dim3A_263 = vector.broadcast %broadcast_in_dim3A_262 : f32 to vector<16xf32>
    %swap3A_264 = arith.constant 4 : i32
    %swap3A_265 = arith.index_cast %swap3A_264 : i32 to index
    %swap3A_266 = arith.constant 16 : index
    %swap3A_267 = tpu.vector_load %arg9[%swap3A_265, %swap3A_266] {strides = array<i32>} : memref<16x128xf32, #tpu.memory_space<vmem>>, vector<1x16xf32>,
    %swap3A_268 = vector.shape_cast %swap3A_267 : vector<1x16xf32> to vector<16xf32>
    %swap3A_269 = vector.shape_cast %broadcast_in_dim3A_263 : vector<16xf32> to vector<1x16xf32>
    tpu.vector_store %arg9[%swap3A_265, %swap3A_266], %swap3A_269 {strides = array<i32>} : memref<16x128xf32, #tpu.memory_space<vmem>>, vector<1x16xf32>,
    %broadcast_in_dim3A_270 = arith.constant 0.000000e+00 : f32
    %broadcast_in_dim3A_271 = vector.broadcast %broadcast_in_dim3A_270 : f32 to vector<16xf32>
    %swap3A_272 = arith.constant 4 : i32
    %swap3A_273 = arith.index_cast %swap3A_272 : i32 to index
    %swap3A_274 = arith.constant 32 : index
    %swap3A_275 = tpu.vector_load %arg9[%swap3A_273, %swap3A_274] {strides = array<i32>} : memref<16x128xf32, #tpu.memory_space<vmem>>, vector<1x16xf32>,
    %swap3A_276 = vector.shape_cast %swap3A_275 : vector<1x16xf32> to vector<16xf32>
    %swap3A_277 = vector.shape_cast %broadcast_in_dim3A_271 : vector<16xf32> to vector<1x16xf32>
    tpu.vector_store %arg9[%swap3A_273, %swap3A_274], %swap3A_277 {strides = array<i32>} : memref<16x128xf32, #tpu.memory_space<vmem>>, vector<1x16xf32>,
    %broadcast_in_dim3A_278 = arith.constant 0.000000e+00 : f32
    %broadcast_in_dim3A_279 = vector.broadcast %broadcast_in_dim3A_278 : f32 to vector<16xf32>
    %swap3A_280 = arith.constant 4 : i32
    %swap3A_281 = arith.index_cast %swap3A_280 : i32 to index
    %swap3A_282 = arith.constant 48 : index
    %swap3A_283 = tpu.vector_load %arg9[%swap3A_281, %swap3A_282] {strides = array<i32>} : memref<16x128xf32, #tpu.memory_space<vmem>>, vector<1x16xf32>,
    %swap3A_284 = vector.shape_cast %swap3A_283 : vector<1x16xf32> to vector<16xf32>
    %swap3A_285 = vector.shape_cast %broadcast_in_dim3A_279 : vector<16xf32> to vector<1x16xf32>
    tpu.vector_store %arg9[%swap3A_281, %swap3A_282], %swap3A_285 {strides = array<i32>} : memref<16x128xf32, #tpu.memory_space<vmem>>, vector<1x16xf32>,
    %broadcast_in_dim3A_286 = arith.constant 0.000000e+00 : f32
    %broadcast_in_dim3A_287 = vector.broadcast %broadcast_in_dim3A_286 : f32 to vector<16xf32>
    %swap3A_288 = arith.constant 4 : i32
    %swap3A_289 = arith.index_cast %swap3A_288 : i32 to index
    %swap3A_290 = arith.constant 64 : index
    %swap3A_291 = tpu.vector_load %arg9[%swap3A_289, %swap3A_290] {strides = array<i32>} : memref<16x128xf32, #tpu.memory_space<vmem>>, vector<1x16xf32>,
    %swap3A_292 = vector.shape_cast %swap3A_291 : vector<1x16xf32> to vector<16xf32>
    %swap3A_293 = vector.shape_cast %broadcast_in_dim3A_287 : vector<16xf32> to vector<1x16xf32>
    tpu.vector_store %arg9[%swap3A_289, %swap3A_290], %swap3A_293 {strides = array<i32>} : memref<16x128xf32, #tpu.memory_space<vmem>>, vector<1x16xf32>,
    %broadcast_in_dim3A_294 = arith.constant 0.000000e+00 : f32
    %broadcast_in_dim3A_295 = vector.broadcast %broadcast_in_dim3A_294 : f32 to vector<16xf32>
    %swap3A_296 = arith.constant 4 : i32
    %swap3A_297 = arith.index_cast %swap3A_296 : i32 to index
    %swap3A_298 = arith.constant 80 : index
    %swap3A_299 = tpu.vector_load %arg9[%swap3A_297, %swap3A_298] {strides = array<i32>} : memref<16x128xf32, #tpu.memory_space<vmem>>, vector<1x16xf32>,
    %swap3A_300 = vector.shape_cast %swap3A_299 : vector<1x16xf32> to vector<16xf32>
    %swap3A_301 = vector.shape_cast %broadcast_in_dim3A_295 : vector<16xf32> to vector<1x16xf32>
    tpu.vector_store %arg9[%swap3A_297, %swap3A_298], %swap3A_301 {strides = array<i32>} : memref<16x128xf32, #tpu.memory_space<vmem>>, vector<1x16xf32>,
    %broadcast_in_dim3A_302 = arith.constant 0.000000e+00 : f32
    %broadcast_in_dim3A_303 = vector.broadcast %broadcast_in_dim3A_302 : f32 to vector<16xf32>
    %swap3A_304 = arith.constant 4 : i32
    %swap3A_305 = arith.index_cast %swap3A_304 : i32 to index
    %swap3A_306 = arith.constant 96 : index
    %swap3A_307 = tpu.vector_load %arg9[%swap3A_305, %swap3A_306] {strides = array<i32>} : memref<16x128xf32, #tpu.memory_space<vmem>>, vector<1x16xf32>,
    %swap3A_308 = vector.shape_cast %swap3A_307 : vector<1x16xf32> to vector<16xf32>
    %swap3A_309 = vector.shape_cast %broadcast_in_dim3A_303 : vector<16xf32> to vector<1x16xf32>
    tpu.vector_store %arg9[%swap3A_305, %swap3A_306], %swap3A_309 {strides = array<i32>} : memref<16x128xf32, #tpu.memory_space<vmem>>, vector<1x16xf32>,
    %broadcast_in_dim3A_310 = arith.constant 0.000000e+00 : f32
    %broadcast_in_dim3A_311 = vector.broadcast %broadcast_in_dim3A_310 : f32 to vector<16xf32>
    %swap3A_312 = arith.constant 4 : i32
    %swap3A_313 = arith.index_cast %swap3A_312 : i32 to index
    %swap3A_314 = arith.constant 112 : index
    %swap3A_315 = tpu.vector_load %arg9[%swap3A_313, %swap3A_314] {strides = array<i32>} : memref<16x128xf32, #tpu.memory_space<vmem>>, vector<1x16xf32>,
    %swap3A_316 = vector.shape_cast %swap3A_315 : vector<1x16xf32> to vector<16xf32>
    %swap3A_317 = vector.shape_cast %broadcast_in_dim3A_311 : vector<16xf32> to vector<1x16xf32>
    tpu.vector_store %arg9[%swap3A_313, %swap3A_314], %swap3A_317 {strides = array<i32>} : memref<16x128xf32, #tpu.memory_space<vmem>>, vector<1x16xf32>,
    %broadcast_in_dim3A_318 = arith.constant 0.000000e+00 : f32
    %broadcast_in_dim3A_319 = vector.broadcast %broadcast_in_dim3A_318 : f32 to vector<16xf32>
    %swap3A_320 = arith.constant 5 : i32
    %swap3A_321 = arith.index_cast %swap3A_320 : i32 to index
    %swap3A_322 = arith.constant 0 : index
    %swap3A_323 = tpu.vector_load %arg9[%swap3A_321, %swap3A_322] {strides = array<i32>} : memref<16x128xf32, #tpu.memory_space<vmem>>, vector<1x16xf32>,
    %swap3A_324 = vector.shape_cast %swap3A_323 : vector<1x16xf32> to vector<16xf32>
    %swap3A_325 = vector.shape_cast %broadcast_in_dim3A_319 : vector<16xf32> to vector<1x16xf32>
    tpu.vector_store %arg9[%swap3A_321, %swap3A_322], %swap3A_325 {strides = array<i32>} : memref<16x128xf32, #tpu.memory_space<vmem>>, vector<1x16xf32>,
    %broadcast_in_dim3A_326 = arith.constant 0.000000e+00 : f32
    %broadcast_in_dim3A_327 = vector.broadcast %broadcast_in_dim3A_326 : f32 to vector<16xf32>
    %swap3A_328 = arith.constant 5 : i32
    %swap3A_329 = arith.index_cast %swap3A_328 : i32 to index
    %swap3A_330 = arith.constant 16 : index
    %swap3A_331 = tpu.vector_load %arg9[%swap3A_329, %swap3A_330] {strides = array<i32>} : memref<16x128xf32, #tpu.memory_space<vmem>>, vector<1x16xf32>,
    %swap3A_332 = vector.shape_cast %swap3A_331 : vector<1x16xf32> to vector<16xf32>
    %swap3A_333 = vector.shape_cast %broadcast_in_dim3A_327 : vector<16xf32> to vector<1x16xf32>
    tpu.vector_store %arg9[%swap3A_329, %swap3A_330], %swap3A_333 {strides = array<i32>} : memref<16x128xf32, #tpu.memory_space<vmem>>, vector<1x16xf32>,
    %broadcast_in_dim3A_334 = arith.constant 0.000000e+00 : f32
    %broadcast_in_dim3A_335 = vector.broadcast %broadcast_in_dim3A_334 : f32 to vector<16xf32>
    %swap3A_336 = arith.constant 5 : i32
    %swap3A_337 = arith.index_cast %swap3A_336 : i32 to index
    %swap3A_338 = arith.constant 32 : index
    %swap3A_339 = tpu.vector_load %arg9[%swap3A_337, %swap3A_338] {strides = array<i32>} : memref<16x128xf32, #tpu.memory_space<vmem>>, vector<1x16xf32>,
    %swap3A_340 = vector.shape_cast %swap3A_339 : vector<1x16xf32> to vector<16xf32>
    %swap3A_341 = vector.shape_cast %broadcast_in_dim3A_335 : vector<16xf32> to vector<1x16xf32>
    tpu.vector_store %arg9[%swap3A_337, %swap3A_338], %swap3A_341 {strides = array<i32>} : memref<16x128xf32, #tpu.memory_space<vmem>>, vector<1x16xf32>,
    %broadcast_in_dim3A_342 = arith.constant 0.000000e+00 : f32
    %broadcast_in_dim3A_343 = vector.broadcast %broadcast_in_dim3A_342 : f32 to vector<16xf32>
    %swap3A_344 = arith.constant 5 : i32
    %swap3A_345 = arith.index_cast %swap3A_344 : i32 to index
    %swap3A_346 = arith.constant 48 : index
    %swap3A_347 = tpu.vector_load %arg9[%swap3A_345, %swap3A_346] {strides = array<i32>} : memref<16x128xf32, #tpu.memory_space<vmem>>, vector<1x16xf32>,
    %swap3A_348 = vector.shape_cast %swap3A_347 : vector<1x16xf32> to vector<16xf32>
    %swap3A_349 = vector.shape_cast %broadcast_in_dim3A_343 : vector<16xf32> to vector<1x16xf32>
    tpu.vector_store %arg9[%swap3A_345, %swap3A_346], %swap3A_349 {strides = array<i32>} : memref<16x128xf32, #tpu.memory_space<vmem>>, vector<1x16xf32>,
    %broadcast_in_dim3A_350 = arith.constant 0.000000e+00 : f32
    %broadcast_in_dim3A_351 = vector.broadcast %broadcast_in_dim3A_350 : f32 to vector<16xf32>
    %swap3A_352 = arith.constant 5 : i32
    %swap3A_353 = arith.index_cast %swap3A_352 : i32 to index
    %swap3A_354 = arith.constant 64 : index
    %swap3A_355 = tpu.vector_load %arg9[%swap3A_353, %swap3A_354] {strides = array<i32>} : memref<16x128xf32, #tpu.memory_space<vmem>>, vector<1x16xf32>,
    %swap3A_356 = vector.shape_cast %swap3A_355 : vector<1x16xf32> to vector<16xf32>
    %swap3A_357 = vector.shape_cast %broadcast_in_dim3A_351 : vector<16xf32> to vector<1x16xf32>
    tpu.vector_store %arg9[%swap3A_353, %swap3A_354], %swap3A_357 {strides = array<i32>} : memref<16x128xf32, #tpu.memory_space<vmem>>, vector<1x16xf32>,
    %broadcast_in_dim3A_358 = arith.constant 0.000000e+00 : f32
    %broadcast_in_dim3A_359 = vector.broadcast %broadcast_in_dim3A_358 : f32 to vector<16xf32>
    %swap3A_360 = arith.constant 5 : i32
    %swap3A_361 = arith.index_cast %swap3A_360 : i32 to index
    %swap3A_362 = arith.constant 80 : index
    %swap3A_363 = tpu.vector_load %arg9[%swap3A_361, %swap3A_362] {strides = array<i32>} : memref<16x128xf32, #tpu.memory_space<vmem>>, vector<1x16xf32>,
    %swap3A_364 = vector.shape_cast %swap3A_363 : vector<1x16xf32> to vector<16xf32>
    %swap3A_365 = vector.shape_cast %broadcast_in_dim3A_359 : vector<16xf32> to vector<1x16xf32>
    tpu.vector_store %arg9[%swap3A_361, %swap3A_362], %swap3A_365 {strides = array<i32>} : memref<16x128xf32, #tpu.memory_space<vmem>>, vector<1x16xf32>,
    %broadcast_in_dim3A_366 = arith.constant 0.000000e+00 : f32
    %broadcast_in_dim3A_367 = vector.broadcast %broadcast_in_dim3A_366 : f32 to vector<16xf32>
    %swap3A_368 = arith.constant 5 : i32
    %swap3A_369 = arith.index_cast %swap3A_368 : i32 to index
    %swap3A_370 = arith.constant 96 : index
    %swap3A_371 = tpu.vector_load %arg9[%swap3A_369, %swap3A_370] {strides = array<i32>} : memref<16x128xf32, #tpu.memory_space<vmem>>, vector<1x16xf32>,
    %swap3A_372 = vector.shape_cast %swap3A_371 : vector<1x16xf32> to vector<16xf32>
    %swap3A_373 = vector.shape_cast %broadcast_in_dim3A_367 : vector<16xf32> to vector<1x16xf32>
    tpu.vector_store %arg9[%swap3A_369, %swap3A_370], %swap3A_373 {strides = array<i32>} : memref<16x128xf32, #tpu.memory_space<vmem>>, vector<1x16xf32>,
    %broadcast_in_dim3A_374 = arith.constant 0.000000e+00 : f32
    %broadcast_in_dim3A_375 = vector.broadcast %broadcast_in_dim3A_374 : f32 to vector<16xf32>
    %swap3A_376 = arith.constant 5 : i32
    %swap3A_377 = arith.index_cast %swap3A_376 : i32 to index
    %swap3A_378 = arith.constant 112 : index
    %swap3A_379 = tpu.vector_load %arg9[%swap3A_377, %swap3A_378] {strides = array<i32>} : memref<16x128xf32, #tpu.memory_space<vmem>>, vector<1x16xf32>,
    %swap3A_380 = vector.shape_cast %swap3A_379 : vector<1x16xf32> to vector<16xf32>
    %swap3A_381 = vector.shape_cast %broadcast_in_dim3A_375 : vector<16xf32> to vector<1x16xf32>
    tpu.vector_store %arg9[%swap3A_377, %swap3A_378], %swap3A_381 {strides = array<i32>} : memref<16x128xf32, #tpu.memory_space<vmem>>, vector<1x16xf32>,
    %broadcast_in_dim3A_382 = arith.constant 0.000000e+00 : f32
    %broadcast_in_dim3A_383 = vector.broadcast %broadcast_in_dim3A_382 : f32 to vector<16xf32>
    %swap3A_384 = arith.constant 6 : i32
    %swap3A_385 = arith.index_cast %swap3A_384 : i32 to index
    %swap3A_386 = arith.constant 0 : index
    %swap3A_387 = tpu.vector_load %arg9[%swap3A_385, %swap3A_386] {strides = array<i32>} : memref<16x128xf32, #tpu.memory_space<vmem>>, vector<1x16xf32>,
    %swap3A_388 = vector.shape_cast %swap3A_387 : vector<1x16xf32> to vector<16xf32>
    %swap3A_389 = vector.shape_cast %broadcast_in_dim3A_383 : vector<16xf32> to vector<1x16xf32>
    tpu.vector_store %arg9[%swap3A_385, %swap3A_386], %swap3A_389 {strides = array<i32>} : memref<16x128xf32, #tpu.memory_space<vmem>>, vector<1x16xf32>,
    %broadcast_in_dim3A_390 = arith.constant 0.000000e+00 : f32
    %broadcast_in_dim3A_391 = vector.broadcast %broadcast_in_dim3A_390 : f32 to vector<16xf32>
    %swap3A_392 = arith.constant 6 : i32
    %swap3A_393 = arith.index_cast %swap3A_392 : i32 to index
    %swap3A_394 = arith.constant 16 : index
    %swap3A_395 = tpu.vector_load %arg9[%swap3A_393, %swap3A_394] {strides = array<i32>} : memref<16x128xf32, #tpu.memory_space<vmem>>, vector<1x16xf32>,
    %swap3A_396 = vector.shape_cast %swap3A_395 : vector<1x16xf32> to vector<16xf32>
    %swap3A_397 = vector.shape_cast %broadcast_in_dim3A_391 : vector<16xf32> to vector<1x16xf32>
    tpu.vector_store %arg9[%swap3A_393, %swap3A_394], %swap3A_397 {strides = array<i32>} : memref<16x128xf32, #tpu.memory_space<vmem>>, vector<1x16xf32>,
    %broadcast_in_dim3A_398 = arith.constant 0.000000e+00 : f32
    %broadcast_in_dim3A_399 = vector.broadcast %broadcast_in_dim3A_398 : f32 to vector<16xf32>
    %swap3A_400 = arith.constant 6 : i32
    %swap3A_401 = arith.index_cast %swap3A_400 : i32 to index
    %swap3A_402 = arith.constant 32 : index
    %swap3A_403 = tpu.vector_load %arg9[%swap3A_401, %swap3A_402] {strides = array<i32>} : memref<16x128xf32, #tpu.memory_space<vmem>>, vector<1x16xf32>,
    %swap3A_404 = vector.shape_cast %swap3A_403 : vector<1x16xf32> to vector<16xf32>
    %swap3A_405 = vector.shape_cast %broadcast_in_dim3A_399 : vector<16xf32> to vector<1x16xf32>
    tpu.vector_store %arg9[%swap3A_401, %swap3A_402], %swap3A_405 {strides = array<i32>} : memref<16x128xf32, #tpu.memory_space<vmem>>, vector<1x16xf32>,
    %broadcast_in_dim3A_406 = arith.constant 0.000000e+00 : f32
    %broadcast_in_dim3A_407 = vector.broadcast %broadcast_in_dim3A_406 : f32 to vector<16xf32>
    %swap3A_408 = arith.constant 6 : i32
    %swap3A_409 = arith.index_cast %swap3A_408 : i32 to index
    %swap3A_410 = arith.constant 48 : index
    %swap3A_411 = tpu.vector_load %arg9[%swap3A_409, %swap3A_410] {strides = array<i32>} : memref<16x128xf32, #tpu.memory_space<vmem>>, vector<1x16xf32>,
    %swap3A_412 = vector.shape_cast %swap3A_411 : vector<1x16xf32> to vector<16xf32>
    %swap3A_413 = vector.shape_cast %broadcast_in_dim3A_407 : vector<16xf32> to vector<1x16xf32>
    tpu.vector_store %arg9[%swap3A_409, %swap3A_410], %swap3A_413 {strides = array<i32>} : memref<16x128xf32, #tpu.memory_space<vmem>>, vector<1x16xf32>,
    %broadcast_in_dim3A_414 = arith.constant 0.000000e+00 : f32
    %broadcast_in_dim3A_415 = vector.broadcast %broadcast_in_dim3A_414 : f32 to vector<16xf32>
    %swap3A_416 = arith.constant 6 : i32
    %swap3A_417 = arith.index_cast %swap3A_416 : i32 to index
    %swap3A_418 = arith.constant 64 : index
    %swap3A_419 = tpu.vector_load %arg9[%swap3A_417, %swap3A_418] {strides = array<i32>} : memref<16x128xf32, #tpu.memory_space<vmem>>, vector<1x16xf32>,
    %swap3A_420 = vector.shape_cast %swap3A_419 : vector<1x16xf32> to vector<16xf32>
    %swap3A_421 = vector.shape_cast %broadcast_in_dim3A_415 : vector<16xf32> to vector<1x16xf32>
    tpu.vector_store %arg9[%swap3A_417, %swap3A_418], %swap3A_421 {strides = array<i32>} : memref<16x128xf32, #tpu.memory_space<vmem>>, vector<1x16xf32>,
    %broadcast_in_dim3A_422 = arith.constant 0.000000e+00 : f32
    %broadcast_in_dim3A_423 = vector.broadcast %broadcast_in_dim3A_422 : f32 to vector<16xf32>
    %swap3A_424 = arith.constant 6 : i32
    %swap3A_425 = arith.index_cast %swap3A_424 : i32 to index
    %swap3A_426 = arith.constant 80 : index
    %swap3A_427 = tpu.vector_load %arg9[%swap3A_425, %swap3A_426] {strides = array<i32>} : memref<16x128xf32, #tpu.memory_space<vmem>>, vector<1x16xf32>,
    %swap3A_428 = vector.shape_cast %swap3A_427 : vector<1x16xf32> to vector<16xf32>
    %swap3A_429 = vector.shape_cast %broadcast_in_dim3A_423 : vector<16xf32> to vector<1x16xf32>
    tpu.vector_store %arg9[%swap3A_425, %swap3A_426], %swap3A_429 {strides = array<i32>} : memref<16x128xf32, #tpu.memory_space<vmem>>, vector<1x16xf32>,
    %broadcast_in_dim3A_430 = arith.constant 0.000000e+00 : f32
    %broadcast_in_dim3A_431 = vector.broadcast %broadcast_in_dim3A_430 : f32 to vector<16xf32>
    %swap3A_432 = arith.constant 6 : i32
    %swap3A_433 = arith.index_cast %swap3A_432 : i32 to index
    %swap3A_434 = arith.constant 96 : index
    %swap3A_435 = tpu.vector_load %arg9[%swap3A_433, %swap3A_434] {strides = array<i32>} : memref<16x128xf32, #tpu.memory_space<vmem>>, vector<1x16xf32>,
    %swap3A_436 = vector.shape_cast %swap3A_435 : vector<1x16xf32> to vector<16xf32>
    %swap3A_437 = vector.shape_cast %broadcast_in_dim3A_431 : vector<16xf32> to vector<1x16xf32>
    tpu.vector_store %arg9[%swap3A_433, %swap3A_434], %swap3A_437 {strides = array<i32>} : memref<16x128xf32, #tpu.memory_space<vmem>>, vector<1x16xf32>,
    %broadcast_in_dim3A_438 = arith.constant 0.000000e+00 : f32
    %broadcast_in_dim3A_439 = vector.broadcast %broadcast_in_dim3A_438 : f32 to vector<16xf32>
    %swap3A_440 = arith.constant 6 : i32
    %swap3A_441 = arith.index_cast %swap3A_440 : i32 to index
    %swap3A_442 = arith.constant 112 : index
    %swap3A_443 = tpu.vector_load %arg9[%swap3A_441, %swap3A_442] {strides = array<i32>} : memref<16x128xf32, #tpu.memory_space<vmem>>, vector<1x16xf32>,
    %swap3A_444 = vector.shape_cast %swap3A_443 : vector<1x16xf32> to vector<16xf32>
    %swap3A_445 = vector.shape_cast %broadcast_in_dim3A_439 : vector<16xf32> to vector<1x16xf32>
    tpu.vector_store %arg9[%swap3A_441, %swap3A_442], %swap3A_445 {strides = array<i32>} : memref<16x128xf32, #tpu.memory_space<vmem>>, vector<1x16xf32>,
    %broadcast_in_dim3A_446 = arith.constant 0.000000e+00 : f32
    %broadcast_in_dim3A_447 = vector.broadcast %broadcast_in_dim3A_446 : f32 to vector<16xf32>
    %swap3A_448 = arith.constant 7 : i32
    %swap3A_449 = arith.index_cast %swap3A_448 : i32 to index
    %swap3A_450 = arith.constant 0 : index
    %swap3A_451 = tpu.vector_load %arg9[%swap3A_449, %swap3A_450] {strides = array<i32>} : memref<16x128xf32, #tpu.memory_space<vmem>>, vector<1x16xf32>,
    %swap3A_452 = vector.shape_cast %swap3A_451 : vector<1x16xf32> to vector<16xf32>
    %swap3A_453 = vector.shape_cast %broadcast_in_dim3A_447 : vector<16xf32> to vector<1x16xf32>
    tpu.vector_store %arg9[%swap3A_449, %swap3A_450], %swap3A_453 {strides = array<i32>} : memref<16x128xf32, #tpu.memory_space<vmem>>, vector<1x16xf32>,
    %broadcast_in_dim3A_454 = arith.constant 0.000000e+00 : f32
    %broadcast_in_dim3A_455 = vector.broadcast %broadcast_in_dim3A_454 : f32 to vector<16xf32>
    %swap3A_456 = arith.constant 7 : i32
    %swap3A_457 = arith.index_cast %swap3A_456 : i32 to index
    %swap3A_458 = arith.constant 16 : index
    %swap3A_459 = tpu.vector_load %arg9[%swap3A_457, %swap3A_458] {strides = array<i32>} : memref<16x128xf32, #tpu.memory_space<vmem>>, vector<1x16xf32>,
    %swap3A_460 = vector.shape_cast %swap3A_459 : vector<1x16xf32> to vector<16xf32>
    %swap3A_461 = vector.shape_cast %broadcast_in_dim3A_455 : vector<16xf32> to vector<1x16xf32>
    tpu.vector_store %arg9[%swap3A_457, %swap3A_458], %swap3A_461 {strides = array<i32>} : memref<16x128xf32, #tpu.memory_space<vmem>>, vector<1x16xf32>,
    %broadcast_in_dim3A_462 = arith.constant 0.000000e+00 : f32
    %broadcast_in_dim3A_463 = vector.broadcast %broadcast_in_dim3A_462 : f32 to vector<16xf32>
    %swap3A_464 = arith.constant 7 : i32
    %swap3A_465 = arith.index_cast %swap3A_464 : i32 to index
    %swap3A_466 = arith.constant 32 : index
    %swap3A_467 = tpu.vector_load %arg9[%swap3A_465, %swap3A_466] {strides = array<i32>} : memref<16x128xf32, #tpu.memory_space<vmem>>, vector<1x16xf32>,
    %swap3A_468 = vector.shape_cast %swap3A_467 : vector<1x16xf32> to vector<16xf32>
    %swap3A_469 = vector.shape_cast %broadcast_in_dim3A_463 : vector<16xf32> to vector<1x16xf32>
    tpu.vector_store %arg9[%swap3A_465, %swap3A_466], %swap3A_469 {strides = array<i32>} : memref<16x128xf32, #tpu.memory_space<vmem>>, vector<1x16xf32>,
    %broadcast_in_dim3A_470 = arith.constant 0.000000e+00 : f32
    %broadcast_in_dim3A_471 = vector.broadcast %broadcast_in_dim3A_470 : f32 to vector<16xf32>
    %swap3A_472 = arith.constant 7 : i32
    %swap3A_473 = arith.index_cast %swap3A_472 : i32 to index
    %swap3A_474 = arith.constant 48 : index
    %swap3A_475 = tpu.vector_load %arg9[%swap3A_473, %swap3A_474] {strides = array<i32>} : memref<16x128xf32, #tpu.memory_space<vmem>>, vector<1x16xf32>,
    %swap3A_476 = vector.shape_cast %swap3A_475 : vector<1x16xf32> to vector<16xf32>
    %swap3A_477 = vector.shape_cast %broadcast_in_dim3A_471 : vector<16xf32> to vector<1x16xf32>
    tpu.vector_store %arg9[%swap3A_473, %swap3A_474], %swap3A_477 {strides = array<i32>} : memref<16x128xf32, #tpu.memory_space<vmem>>, vector<1x16xf32>,
    %broadcast_in_dim3A_478 = arith.constant 0.000000e+00 : f32
    %broadcast_in_dim3A_479 = vector.broadcast %broadcast_in_dim3A_478 : f32 to vector<16xf32>
    %swap3A_480 = arith.constant 7 : i32
    %swap3A_481 = arith.index_cast %swap3A_480 : i32 to index
    %swap3A_482 = arith.constant 64 : index
    %swap3A_483 = tpu.vector_load %arg9[%swap3A_481, %swap3A_482] {strides = array<i32>} : memref<16x128xf32, #tpu.memory_space<vmem>>, vector<1x16xf32>,
    %swap3A_484 = vector.shape_cast %swap3A_483 : vector<1x16xf32> to vector<16xf32>
    %swap3A_485 = vector.shape_cast %broadcast_in_dim3A_479 : vector<16xf32> to vector<1x16xf32>
    tpu.vector_store %arg9[%swap3A_481, %swap3A_482], %swap3A_485 {strides = array<i32>} : memref<16x128xf32, #tpu.memory_space<vmem>>, vector<1x16xf32>,
    %broadcast_in_dim3A_486 = arith.constant 0.000000e+00 : f32
    %broadcast_in_dim3A_487 = vector.broadcast %broadcast_in_dim3A_486 : f32 to vector<16xf32>
    %swap3A_488 = arith.constant 7 : i32
    %swap3A_489 = arith.index_cast %swap3A_488 : i32 to index
    %swap3A_490 = arith.constant 80 : index
    %swap3A_491 = tpu.vector_load %arg9[%swap3A_489, %swap3A_490] {strides = array<i32>} : memref<16x128xf32, #tpu.memory_space<vmem>>, vector<1x16xf32>,
    %swap3A_492 = vector.shape_cast %swap3A_491 : vector<1x16xf32> to vector<16xf32>
    %swap3A_493 = vector.shape_cast %broadcast_in_dim3A_487 : vector<16xf32> to vector<1x16xf32>
    tpu.vector_store %arg9[%swap3A_489, %swap3A_490], %swap3A_493 {strides = array<i32>} : memref<16x128xf32, #tpu.memory_space<vmem>>, vector<1x16xf32>,
    %broadcast_in_dim3A_494 = arith.constant 0.000000e+00 : f32
    %broadcast_in_dim3A_495 = vector.broadcast %broadcast_in_dim3A_494 : f32 to vector<16xf32>
    %swap3A_496 = arith.constant 7 : i32
    %swap3A_497 = arith.index_cast %swap3A_496 : i32 to index
    %swap3A_498 = arith.constant 96 : index
    %swap3A_499 = tpu.vector_load %arg9[%swap3A_497, %swap3A_498] {strides = array<i32>} : memref<16x128xf32, #tpu.memory_space<vmem>>, vector<1x16xf32>,
    %swap3A_500 = vector.shape_cast %swap3A_499 : vector<1x16xf32> to vector<16xf32>
    %swap3A_501 = vector.shape_cast %broadcast_in_dim3A_495 : vector<16xf32> to vector<1x16xf32>
    tpu.vector_store %arg9[%swap3A_497, %swap3A_498], %swap3A_501 {strides = array<i32>} : memref<16x128xf32, #tpu.memory_space<vmem>>, vector<1x16xf32>,
    %broadcast_in_dim3A_502 = arith.constant 0.000000e+00 : f32
    %broadcast_in_dim3A_503 = vector.broadcast %broadcast_in_dim3A_502 : f32 to vector<16xf32>
    %swap3A_504 = arith.constant 7 : i32
    %swap3A_505 = arith.index_cast %swap3A_504 : i32 to index
    %swap3A_506 = arith.constant 112 : index
    %swap3A_507 = tpu.vector_load %arg9[%swap3A_505, %swap3A_506] {strides = array<i32>} : memref<16x128xf32, #tpu.memory_space<vmem>>, vector<1x16xf32>,
    %swap3A_508 = vector.shape_cast %swap3A_507 : vector<1x16xf32> to vector<16xf32>
    %swap3A_509 = vector.shape_cast %broadcast_in_dim3A_503 : vector<16xf32> to vector<1x16xf32>
    tpu.vector_store %arg9[%swap3A_505, %swap3A_506], %swap3A_509 {strides = array<i32>} : memref<16x128xf32, #tpu.memory_space<vmem>>, vector<1x16xf32>,
    %broadcast_in_dim3A_510 = arith.constant 0.000000e+00 : f32
    %broadcast_in_dim3A_511 = vector.broadcast %broadcast_in_dim3A_510 : f32 to vector<16xf32>
    %swap3A_512 = arith.constant 8 : i32
    %swap3A_513 = arith.index_cast %swap3A_512 : i32 to index
    %swap3A_514 = arith.constant 0 : index
    %swap3A_515 = tpu.vector_load %arg9[%swap3A_513, %swap3A_514] {strides = array<i32>} : memref<16x128xf32, #tpu.memory_space<vmem>>, vector<1x16xf32>,
    %swap3A_516 = vector.shape_cast %swap3A_515 : vector<1x16xf32> to vector<16xf32>
    %swap3A_517 = vector.shape_cast %broadcast_in_dim3A_511 : vector<16xf32> to vector<1x16xf32>
    tpu.vector_store %arg9[%swap3A_513, %swap3A_514], %swap3A_517 {strides = array<i32>} : memref<16x128xf32, #tpu.memory_space<vmem>>, vector<1x16xf32>,
    %broadcast_in_dim3A_518 = arith.constant 0.000000e+00 : f32
    %broadcast_in_dim3A_519 = vector.broadcast %broadcast_in_dim3A_518 : f32 to vector<16xf32>
    %swap3A_520 = arith.constant 8 : i32
    %swap3A_521 = arith.index_cast %swap3A_520 : i32 to index
    %swap3A_522 = arith.constant 16 : index
    %swap3A_523 = tpu.vector_load %arg9[%swap3A_521, %swap3A_522] {strides = array<i32>} : memref<16x128xf32, #tpu.memory_space<vmem>>, vector<1x16xf32>,
    %swap3A_524 = vector.shape_cast %swap3A_523 : vector<1x16xf32> to vector<16xf32>
    %swap3A_525 = vector.shape_cast %broadcast_in_dim3A_519 : vector<16xf32> to vector<1x16xf32>
    tpu.vector_store %arg9[%swap3A_521, %swap3A_522], %swap3A_525 {strides = array<i32>} : memref<16x128xf32, #tpu.memory_space<vmem>>, vector<1x16xf32>,
    %broadcast_in_dim3A_526 = arith.constant 0.000000e+00 : f32
    %broadcast_in_dim3A_527 = vector.broadcast %broadcast_in_dim3A_526 : f32 to vector<16xf32>
    %swap3A_528 = arith.constant 8 : i32
    %swap3A_529 = arith.index_cast %swap3A_528 : i32 to index
    %swap3A_530 = arith.constant 32 : index
    %swap3A_531 = tpu.vector_load %arg9[%swap3A_529, %swap3A_530] {strides = array<i32>} : memref<16x128xf32, #tpu.memory_space<vmem>>, vector<1x16xf32>,
    %swap3A_532 = vector.shape_cast %swap3A_531 : vector<1x16xf32> to vector<16xf32>
    %swap3A_533 = vector.shape_cast %broadcast_in_dim3A_527 : vector<16xf32> to vector<1x16xf32>
    tpu.vector_store %arg9[%swap3A_529, %swap3A_530], %swap3A_533 {strides = array<i32>} : memref<16x128xf32, #tpu.memory_space<vmem>>, vector<1x16xf32>,
    %broadcast_in_dim3A_534 = arith.constant 0.000000e+00 : f32
    %broadcast_in_dim3A_535 = vector.broadcast %broadcast_in_dim3A_534 : f32 to vector<16xf32>
    %swap3A_536 = arith.constant 8 : i32
    %swap3A_537 = arith.index_cast %swap3A_536 : i32 to index
    %swap3A_538 = arith.constant 48 : index
    %swap3A_539 = tpu.vector_load %arg9[%swap3A_537, %swap3A_538] {strides = array<i32>} : memref<16x128xf32, #tpu.memory_space<vmem>>, vector<1x16xf32>,
    %swap3A_540 = vector.shape_cast %swap3A_539 : vector<1x16xf32> to vector<16xf32>
    %swap3A_541 = vector.shape_cast %broadcast_in_dim3A_535 : vector<16xf32> to vector<1x16xf32>
    tpu.vector_store %arg9[%swap3A_537, %swap3A_538], %swap3A_541 {strides = array<i32>} : memref<16x128xf32, #tpu.memory_space<vmem>>, vector<1x16xf32>,
    %broadcast_in_dim3A_542 = arith.constant 0.000000e+00 : f32
    %broadcast_in_dim3A_543 = vector.broadcast %broadcast_in_dim3A_542 : f32 to vector<16xf32>
    %swap3A_544 = arith.constant 8 : i32
    %swap3A_545 = arith.index_cast %swap3A_544 : i32 to index
    %swap3A_546 = arith.constant 64 : index
    %swap3A_547 = tpu.vector_load %arg9[%swap3A_545, %swap3A_546] {strides = array<i32>} : memref<16x128xf32, #tpu.memory_space<vmem>>, vector<1x16xf32>,
    %swap3A_548 = vector.shape_cast %swap3A_547 : vector<1x16xf32> to vector<16xf32>
    %swap3A_549 = vector.shape_cast %broadcast_in_dim3A_543 : vector<16xf32> to vector<1x16xf32>
    tpu.vector_store %arg9[%swap3A_545, %swap3A_546], %swap3A_549 {strides = array<i32>} : memref<16x128xf32, #tpu.memory_space<vmem>>, vector<1x16xf32>,
    %broadcast_in_dim3A_550 = arith.constant 0.000000e+00 : f32
    %broadcast_in_dim3A_551 = vector.broadcast %broadcast_in_dim3A_550 : f32 to vector<16xf32>
    %swap3A_552 = arith.constant 8 : i32
    %swap3A_553 = arith.index_cast %swap3A_552 : i32 to index
    %swap3A_554 = arith.constant 80 : index
    %swap3A_555 = tpu.vector_load %arg9[%swap3A_553, %swap3A_554] {strides = array<i32>} : memref<16x128xf32, #tpu.memory_space<vmem>>, vector<1x16xf32>,
    %swap3A_556 = vector.shape_cast %swap3A_555 : vector<1x16xf32> to vector<16xf32>
    %swap3A_557 = vector.shape_cast %broadcast_in_dim3A_551 : vector<16xf32> to vector<1x16xf32>
    tpu.vector_store %arg9[%swap3A_553, %swap3A_554], %swap3A_557 {strides = array<i32>} : memref<16x128xf32, #tpu.memory_space<vmem>>, vector<1x16xf32>,
    %broadcast_in_dim3A_558 = arith.constant 0.000000e+00 : f32
    %broadcast_in_dim3A_559 = vector.broadcast %broadcast_in_dim3A_558 : f32 to vector<16xf32>
    %swap3A_560 = arith.constant 8 : i32
    %swap3A_561 = arith.index_cast %swap3A_560 : i32 to index
    %swap3A_562 = arith.constant 96 : index
    %swap3A_563 = tpu.vector_load %arg9[%swap3A_561, %swap3A_562] {strides = array<i32>} : memref<16x128xf32, #tpu.memory_space<vmem>>, vector<1x16xf32>,
    %swap3A_564 = vector.shape_cast %swap3A_563 : vector<1x16xf32> to vector<16xf32>
    %swap3A_565 = vector.shape_cast %broadcast_in_dim3A_559 : vector<16xf32> to vector<1x16xf32>
    tpu.vector_store %arg9[%swap3A_561, %swap3A_562], %swap3A_565 {strides = array<i32>} : memref<16x128xf32, #tpu.memory_space<vmem>>, vector<1x16xf32>,
    %broadcast_in_dim3A_566 = arith.constant 0.000000e+00 : f32
    %broadcast_in_dim3A_567 = vector.broadcast %broadcast_in_dim3A_566 : f32 to vector<16xf32>
    %swap3A_568 = arith.constant 8 : i32
    %swap3A_569 = arith.index_cast %swap3A_568 : i32 to index
    %swap3A_570 = arith.constant 112 : index
    %swap3A_571 = tpu.vector_load %arg9[%swap3A_569, %swap3A_570] {strides = array<i32>} : memref<16x128xf32, #tpu.memory_space<vmem>>, vector<1x16xf32>,
    %swap3A_572 = vector.shape_cast %swap3A_571 : vector<1x16xf32> to vector<16xf32>
    %swap3A_573 = vector.shape_cast %broadcast_in_dim3A_567 : vector<16xf32> to vector<1x16xf32>
    tpu.vector_store %arg9[%swap3A_569, %swap3A_570], %swap3A_573 {strides = array<i32>} : memref<16x128xf32, #tpu.memory_space<vmem>>, vector<1x16xf32>,
    %broadcast_in_dim3A_574 = arith.constant 0.000000e+00 : f32
    %broadcast_in_dim3A_575 = vector.broadcast %broadcast_in_dim3A_574 : f32 to vector<16xf32>
    %swap3A_576 = arith.constant 9 : i32
    %swap3A_577 = arith.index_cast %swap3A_576 : i32 to index
    %swap3A_578 = arith.constant 0 : index
    %swap3A_579 = tpu.vector_load %arg9[%swap3A_577, %swap3A_578] {strides = array<i32>} : memref<16x128xf32, #tpu.memory_space<vmem>>, vector<1x16xf32>,
    %swap3A_580 = vector.shape_cast %swap3A_579 : vector<1x16xf32> to vector<16xf32>
    %swap3A_581 = vector.shape_cast %broadcast_in_dim3A_575 : vector<16xf32> to vector<1x16xf32>
    tpu.vector_store %arg9[%swap3A_577, %swap3A_578], %swap3A_581 {strides = array<i32>} : memref<16x128xf32, #tpu.memory_space<vmem>>, vector<1x16xf32>,
    %broadcast_in_dim3A_582 = arith.constant 0.000000e+00 : f32
    %broadcast_in_dim3A_583 = vector.broadcast %broadcast_in_dim3A_582 : f32 to vector<16xf32>
    %swap3A_584 = arith.constant 9 : i32
    %swap3A_585 = arith.index_cast %swap3A_584 : i32 to index
    %swap3A_586 = arith.constant 16 : index
    %swap3A_587 = tpu.vector_load %arg9[%swap3A_585, %swap3A_586] {strides = array<i32>} : memref<16x128xf32, #tpu.memory_space<vmem>>, vector<1x16xf32>,
    %swap3A_588 = vector.shape_cast %swap3A_587 : vector<1x16xf32> to vector<16xf32>
    %swap3A_589 = vector.shape_cast %broadcast_in_dim3A_583 : vector<16xf32> to vector<1x16xf32>
    tpu.vector_store %arg9[%swap3A_585, %swap3A_586], %swap3A_589 {strides = array<i32>} : memref<16x128xf32, #tpu.memory_space<vmem>>, vector<1x16xf32>,
    %broadcast_in_dim3A_590 = arith.constant 0.000000e+00 : f32
    %broadcast_in_dim3A_591 = vector.broadcast %broadcast_in_dim3A_590 : f32 to vector<16xf32>
    %swap3A_592 = arith.constant 9 : i32
    %swap3A_593 = arith.index_cast %swap3A_592 : i32 to index
    %swap3A_594 = arith.constant 32 : index
    %swap3A_595 = tpu.vector_load %arg9[%swap3A_593, %swap3A_594] {strides = array<i32>} : memref<16x128xf32, #tpu.memory_space<vmem>>, vector<1x16xf32>,
    %swap3A_596 = vector.shape_cast %swap3A_595 : vector<1x16xf32> to vector<16xf32>
    %swap3A_597 = vector.shape_cast %broadcast_in_dim3A_591 : vector<16xf32> to vector<1x16xf32>
    tpu.vector_store %arg9[%swap3A_593, %swap3A_594], %swap3A_597 {strides = array<i32>} : memref<16x128xf32, #tpu.memory_space<vmem>>, vector<1x16xf32>,
    %broadcast_in_dim3A_598 = arith.constant 0.000000e+00 : f32
    %broadcast_in_dim3A_599 = vector.broadcast %broadcast_in_dim3A_598 : f32 to vector<16xf32>
    %swap3A_600 = arith.constant 9 : i32
    %swap3A_601 = arith.index_cast %swap3A_600 : i32 to index
    %swap3A_602 = arith.constant 48 : index
    %swap3A_603 = tpu.vector_load %arg9[%swap3A_601, %swap3A_602] {strides = array<i32>} : memref<16x128xf32, #tpu.memory_space<vmem>>, vector<1x16xf32>,
    %swap3A_604 = vector.shape_cast %swap3A_603 : vector<1x16xf32> to vector<16xf32>
    %swap3A_605 = vector.shape_cast %broadcast_in_dim3A_599 : vector<16xf32> to vector<1x16xf32>
    tpu.vector_store %arg9[%swap3A_601, %swap3A_602], %swap3A_605 {strides = array<i32>} : memref<16x128xf32, #tpu.memory_space<vmem>>, vector<1x16xf32>,
    %broadcast_in_dim3A_606 = arith.constant 0.000000e+00 : f32
    %broadcast_in_dim3A_607 = vector.broadcast %broadcast_in_dim3A_606 : f32 to vector<16xf32>
    %swap3A_608 = arith.constant 9 : i32
    %swap3A_609 = arith.index_cast %swap3A_608 : i32 to index
    %swap3A_610 = arith.constant 64 : index
    %swap3A_611 = tpu.vector_load %arg9[%swap3A_609, %swap3A_610] {strides = array<i32>} : memref<16x128xf32, #tpu.memory_space<vmem>>, vector<1x16xf32>,
    %swap3A_612 = vector.shape_cast %swap3A_611 : vector<1x16xf32> to vector<16xf32>
    %swap3A_613 = vector.shape_cast %broadcast_in_dim3A_607 : vector<16xf32> to vector<1x16xf32>
    tpu.vector_store %arg9[%swap3A_609, %swap3A_610], %swap3A_613 {strides = array<i32>} : memref<16x128xf32, #tpu.memory_space<vmem>>, vector<1x16xf32>,
    %broadcast_in_dim3A_614 = arith.constant 0.000000e+00 : f32
    %broadcast_in_dim3A_615 = vector.broadcast %broadcast_in_dim3A_614 : f32 to vector<16xf32>
    %swap3A_616 = arith.constant 9 : i32
    %swap3A_617 = arith.index_cast %swap3A_616 : i32 to index
    %swap3A_618 = arith.constant 80 : index
    %swap3A_619 = tpu.vector_load %arg9[%swap3A_617, %swap3A_618] {strides = array<i32>} : memref<16x128xf32, #tpu.memory_space<vmem>>, vector<1x16xf32>,
    %swap3A_620 = vector.shape_cast %swap3A_619 : vector<1x16xf32> to vector<16xf32>
    %swap3A_621 = vector.shape_cast %broadcast_in_dim3A_615 : vector<16xf32> to vector<1x16xf32>
    tpu.vector_store %arg9[%swap3A_617, %swap3A_618], %swap3A_621 {strides = array<i32>} : memref<16x128xf32, #tpu.memory_space<vmem>>, vector<1x16xf32>,
    %broadcast_in_dim3A_622 = arith.constant 0.000000e+00 : f32
    %broadcast_in_dim3A_623 = vector.broadcast %broadcast_in_dim3A_622 : f32 to vector<16xf32>
    %swap3A_624 = arith.constant 9 : i32
    %swap3A_625 = arith.index_cast %swap3A_624 : i32 to index
    %swap3A_626 = arith.constant 96 : index
    %swap3A_627 = tpu.vector_load %arg9[%swap3A_625, %swap3A_626] {strides = array<i32>} : memref<16x128xf32, #tpu.memory_space<vmem>>, vector<1x16xf32>,
    %swap3A_628 = vector.shape_cast %swap3A_627 : vector<1x16xf32> to vector<16xf32>
    %swap3A_629 = vector.shape_cast %broadcast_in_dim3A_623 : vector<16xf32> to vector<1x16xf32>
    tpu.vector_store %arg9[%swap3A_625, %swap3A_626], %swap3A_629 {strides = array<i32>} : memref<16x128xf32, #tpu.memory_space<vmem>>, vector<1x16xf32>,
    %broadcast_in_dim3A_630 = arith.constant 0.000000e+00 : f32
    %broadcast_in_dim3A_631 = vector.broadcast %broadcast_in_dim3A_630 : f32 to vector<16xf32>
    %swap3A_632 = arith.constant 9 : i32
    %swap3A_633 = arith.index_cast %swap3A_632 : i32 to index
    %swap3A_634 = arith.constant 112 : index
    %swap3A_635 = tpu.vector_load %arg9[%swap3A_633, %swap3A_634] {strides = array<i32>} : memref<16x128xf32, #tpu.memory_space<vmem>>, vector<1x16xf32>,
    %swap3A_636 = vector.shape_cast %swap3A_635 : vector<1x16xf32> to vector<16xf32>
    %swap3A_637 = vector.shape_cast %broadcast_in_dim3A_631 : vector<16xf32> to vector<1x16xf32>
    tpu.vector_store %arg9[%swap3A_633, %swap3A_634], %swap3A_637 {strides = array<i32>} : memref<16x128xf32, #tpu.memory_space<vmem>>, vector<1x16xf32>,
    %broadcast_in_dim3A_638 = arith.constant 0.000000e+00 : f32
    %broadcast_in_dim3A_639 = vector.broadcast %broadcast_in_dim3A_638 : f32 to vector<16xf32>
    %swap3A_640 = arith.constant 10 : i32
    %swap3A_641 = arith.index_cast %swap3A_640 : i32 to index
    %swap3A_642 = arith.constant 0 : index
    %swap3A_643 = tpu.vector_load %arg9[%swap3A_641, %swap3A_642] {strides = array<i32>} : memref<16x128xf32, #tpu.memory_space<vmem>>, vector<1x16xf32>,
    %swap3A_644 = vector.shape_cast %swap3A_643 : vector<1x16xf32> to vector<16xf32>
    %swap3A_645 = vector.shape_cast %broadcast_in_dim3A_639 : vector<16xf32> to vector<1x16xf32>
    tpu.vector_store %arg9[%swap3A_641, %swap3A_642], %swap3A_645 {strides = array<i32>} : memref<16x128xf32, #tpu.memory_space<vmem>>, vector<1x16xf32>,
    %broadcast_in_dim3A_646 = arith.constant 0.000000e+00 : f32
    %broadcast_in_dim3A_647 = vector.broadcast %broadcast_in_dim3A_646 : f32 to vector<16xf32>
    %swap3A_648 = arith.constant 10 : i32
    %swap3A_649 = arith.index_cast %swap3A_648 : i32 to index
    %swap3A_650 = arith.constant 16 : index
    %swap3A_651 = tpu.vector_load %arg9[%swap3A_649, %swap3A_650] {strides = array<i32>} : memref<16x128xf32, #tpu.memory_space<vmem>>, vector<1x16xf32>,
    %swap3A_652 = vector.shape_cast %swap3A_651 : vector<1x16xf32> to vector<16xf32>
    %swap3A_653 = vector.shape_cast %broadcast_in_dim3A_647 : vector<16xf32> to vector<1x16xf32>
    tpu.vector_store %arg9[%swap3A_649, %swap3A_650], %swap3A_653 {strides = array<i32>} : memref<16x128xf32, #tpu.memory_space<vmem>>, vector<1x16xf32>,
    %broadcast_in_dim3A_654 = arith.constant 0.000000e+00 : f32
    %broadcast_in_dim3A_655 = vector.broadcast %broadcast_in_dim3A_654 : f32 to vector<16xf32>
    %swap3A_656 = arith.constant 10 : i32
    %swap3A_657 = arith.index_cast %swap3A_656 : i32 to index
    %swap3A_658 = arith.constant 32 : index
    %swap3A_659 = tpu.vector_load %arg9[%swap3A_657, %swap3A_658] {strides = array<i32>} : memref<16x128xf32, #tpu.memory_space<vmem>>, vector<1x16xf32>,
    %swap3A_660 = vector.shape_cast %swap3A_659 : vector<1x16xf32> to vector<16xf32>
    %swap3A_661 = vector.shape_cast %broadcast_in_dim3A_655 : vector<16xf32> to vector<1x16xf32>
    tpu.vector_store %arg9[%swap3A_657, %swap3A_658], %swap3A_661 {strides = array<i32>} : memref<16x128xf32, #tpu.memory_space<vmem>>, vector<1x16xf32>,
    %broadcast_in_dim3A_662 = arith.constant 0.000000e+00 : f32
    %broadcast_in_dim3A_663 = vector.broadcast %broadcast_in_dim3A_662 : f32 to vector<16xf32>
    %swap3A_664 = arith.constant 10 : i32
    %swap3A_665 = arith.index_cast %swap3A_664 : i32 to index
    %swap3A_666 = arith.constant 48 : index
    %swap3A_667 = tpu.vector_load %arg9[%swap3A_665, %swap3A_666] {strides = array<i32>} : memref<16x128xf32, #tpu.memory_space<vmem>>, vector<1x16xf32>,
    %swap3A_668 = vector.shape_cast %swap3A_667 : vector<1x16xf32> to vector<16xf32>
    %swap3A_669 = vector.shape_cast %broadcast_in_dim3A_663 : vector<16xf32> to vector<1x16xf32>
    tpu.vector_store %arg9[%swap3A_665, %swap3A_666], %swap3A_669 {strides = array<i32>} : memref<16x128xf32, #tpu.memory_space<vmem>>, vector<1x16xf32>,
    %broadcast_in_dim3A_670 = arith.constant 0.000000e+00 : f32
    %broadcast_in_dim3A_671 = vector.broadcast %broadcast_in_dim3A_670 : f32 to vector<16xf32>
    %swap3A_672 = arith.constant 10 : i32
    %swap3A_673 = arith.index_cast %swap3A_672 : i32 to index
    %swap3A_674 = arith.constant 64 : index
    %swap3A_675 = tpu.vector_load %arg9[%swap3A_673, %swap3A_674] {strides = array<i32>} : memref<16x128xf32, #tpu.memory_space<vmem>>, vector<1x16xf32>,
    %swap3A_676 = vector.shape_cast %swap3A_675 : vector<1x16xf32> to vector<16xf32>
    %swap3A_677 = vector.shape_cast %broadcast_in_dim3A_671 : vector<16xf32> to vector<1x16xf32>
    tpu.vector_store %arg9[%swap3A_673, %swap3A_674], %swap3A_677 {strides = array<i32>} : memref<16x128xf32, #tpu.memory_space<vmem>>, vector<1x16xf32>,
    %broadcast_in_dim3A_678 = arith.constant 0.000000e+00 : f32
    %broadcast_in_dim3A_679 = vector.broadcast %broadcast_in_dim3A_678 : f32 to vector<16xf32>
    %swap3A_680 = arith.constant 10 : i32
    %swap3A_681 = arith.index_cast %swap3A_680 : i32 to index
    %swap3A_682 = arith.constant 80 : index
    %swap3A_683 = tpu.vector_load %arg9[%swap3A_681, %swap3A_682] {strides = array<i32>} : memref<16x128xf32, #tpu.memory_space<vmem>>, vector<1x16xf32>,
    %swap3A_684 = vector.shape_cast %swap3A_683 : vector<1x16xf32> to vector<16xf32>
    %swap3A_685 = vector.shape_cast %broadcast_in_dim3A_679 : vector<16xf32> to vector<1x16xf32>
    tpu.vector_store %arg9[%swap3A_681, %swap3A_682], %swap3A_685 {strides = array<i32>} : memref<16x128xf32, #tpu.memory_space<vmem>>, vector<1x16xf32>,
    %broadcast_in_dim3A_686 = arith.constant 0.000000e+00 : f32
    %broadcast_in_dim3A_687 = vector.broadcast %broadcast_in_dim3A_686 : f32 to vector<16xf32>
    %swap3A_688 = arith.constant 10 : i32
    %swap3A_689 = arith.index_cast %swap3A_688 : i32 to index
    %swap3A_690 = arith.constant 96 : index
    %swap3A_691 = tpu.vector_load %arg9[%swap3A_689, %swap3A_690] {strides = array<i32>} : memref<16x128xf32, #tpu.memory_space<vmem>>, vector<1x16xf32>,
    %swap3A_692 = vector.shape_cast %swap3A_691 : vector<1x16xf32> to vector<16xf32>
    %swap3A_693 = vector.shape_cast %broadcast_in_dim3A_687 : vector<16xf32> to vector<1x16xf32>
    tpu.vector_store %arg9[%swap3A_689, %swap3A_690], %swap3A_693 {strides = array<i32>} : memref<16x128xf32, #tpu.memory_space<vmem>>, vector<1x16xf32>,
    %broadcast_in_dim3A_694 = arith.constant 0.000000e+00 : f32
    %broadcast_in_dim3A_695 = vector.broadcast %broadcast_in_dim3A_694 : f32 to vector<16xf32>
    %swap3A_696 = arith.constant 10 : i32
    %swap3A_697 = arith.index_cast %swap3A_696 : i32 to index
    %swap3A_698 = arith.constant 112 : index
    %swap3A_699 = tpu.vector_load %arg9[%swap3A_697, %swap3A_698] {strides = array<i32>} : memref<16x128xf32, #tpu.memory_space<vmem>>, vector<1x16xf32>,
    %swap3A_700 = vector.shape_cast %swap3A_699 : vector<1x16xf32> to vector<16xf32>
    %swap3A_701 = vector.shape_cast %broadcast_in_dim3A_695 : vector<16xf32> to vector<1x16xf32>
    tpu.vector_store %arg9[%swap3A_697, %swap3A_698], %swap3A_701 {strides = array<i32>} : memref<16x128xf32, #tpu.memory_space<vmem>>, vector<1x16xf32>,
    %broadcast_in_dim3A_702 = arith.constant 0.000000e+00 : f32
    %broadcast_in_dim3A_703 = vector.broadcast %broadcast_in_dim3A_702 : f32 to vector<16xf32>
    %swap3A_704 = arith.constant 11 : i32
    %swap3A_705 = arith.index_cast %swap3A_704 : i32 to index
    %swap3A_706 = arith.constant 0 : index
    %swap3A_707 = tpu.vector_load %arg9[%swap3A_705, %swap3A_706] {strides = array<i32>} : memref<16x128xf32, #tpu.memory_space<vmem>>, vector<1x16xf32>,
    %swap3A_708 = vector.shape_cast %swap3A_707 : vector<1x16xf32> to vector<16xf32>
    %swap3A_709 = vector.shape_cast %broadcast_in_dim3A_703 : vector<16xf32> to vector<1x16xf32>
    tpu.vector_store %arg9[%swap3A_705, %swap3A_706], %swap3A_709 {strides = array<i32>} : memref<16x128xf32, #tpu.memory_space<vmem>>, vector<1x16xf32>,
    %broadcast_in_dim3A_710 = arith.constant 0.000000e+00 : f32
    %broadcast_in_dim3A_711 = vector.broadcast %broadcast_in_dim3A_710 : f32 to vector<16xf32>
    %swap3A_712 = arith.constant 11 : i32
    %swap3A_713 = arith.index_cast %swap3A_712 : i32 to index
    %swap3A_714 = arith.constant 16 : index
    %swap3A_715 = tpu.vector_load %arg9[%swap3A_713, %swap3A_714] {strides = array<i32>} : memref<16x128xf32, #tpu.memory_space<vmem>>, vector<1x16xf32>,
    %swap3A_716 = vector.shape_cast %swap3A_715 : vector<1x16xf32> to vector<16xf32>
    %swap3A_717 = vector.shape_cast %broadcast_in_dim3A_711 : vector<16xf32> to vector<1x16xf32>
    tpu.vector_store %arg9[%swap3A_713, %swap3A_714], %swap3A_717 {strides = array<i32>} : memref<16x128xf32, #tpu.memory_space<vmem>>, vector<1x16xf32>,
    %broadcast_in_dim3A_718 = arith.constant 0.000000e+00 : f32
    %broadcast_in_dim3A_719 = vector.broadcast %broadcast_in_dim3A_718 : f32 to vector<16xf32>
    %swap3A_720 = arith.constant 11 : i32
    %swap3A_721 = arith.index_cast %swap3A_720 : i32 to index
    %swap3A_722 = arith.constant 32 : index
    %swap3A_723 = tpu.vector_load %arg9[%swap3A_721, %swap3A_722] {strides = array<i32>} : memref<16x128xf32, #tpu.memory_space<vmem>>, vector<1x16xf32>,
    %swap3A_724 = vector.shape_cast %swap3A_723 : vector<1x16xf32> to vector<16xf32>
    %swap3A_725 = vector.shape_cast %broadcast_in_dim3A_719 : vector<16xf32> to vector<1x16xf32>
    tpu.vector_store %arg9[%swap3A_721, %swap3A_722], %swap3A_725 {strides = array<i32>} : memref<16x128xf32, #tpu.memory_space<vmem>>, vector<1x16xf32>,
    %broadcast_in_dim3A_726 = arith.constant 0.000000e+00 : f32
    %broadcast_in_dim3A_727 = vector.broadcast %broadcast_in_dim3A_726 : f32 to vector<16xf32>
    %swap3A_728 = arith.constant 11 : i32
    %swap3A_729 = arith.index_cast %swap3A_728 : i32 to index
    %swap3A_730 = arith.constant 48 : index
    %swap3A_731 = tpu.vector_load %arg9[%swap3A_729, %swap3A_730] {strides = array<i32>} : memref<16x128xf32, #tpu.memory_space<vmem>>, vector<1x16xf32>,
    %swap3A_732 = vector.shape_cast %swap3A_731 : vector<1x16xf32> to vector<16xf32>
    %swap3A_733 = vector.shape_cast %broadcast_in_dim3A_727 : vector<16xf32> to vector<1x16xf32>
    tpu.vector_store %arg9[%swap3A_729, %swap3A_730], %swap3A_733 {strides = array<i32>} : memref<16x128xf32, #tpu.memory_space<vmem>>, vector<1x16xf32>,
    %broadcast_in_dim3A_734 = arith.constant 0.000000e+00 : f32
    %broadcast_in_dim3A_735 = vector.broadcast %broadcast_in_dim3A_734 : f32 to vector<16xf32>
    %swap3A_736 = arith.constant 11 : i32
    %swap3A_737 = arith.index_cast %swap3A_736 : i32 to index
    %swap3A_738 = arith.constant 64 : index
    %swap3A_739 = tpu.vector_load %arg9[%swap3A_737, %swap3A_738] {strides = array<i32>} : memref<16x128xf32, #tpu.memory_space<vmem>>, vector<1x16xf32>,
    %swap3A_740 = vector.shape_cast %swap3A_739 : vector<1x16xf32> to vector<16xf32>
    %swap3A_741 = vector.shape_cast %broadcast_in_dim3A_735 : vector<16xf32> to vector<1x16xf32>
    tpu.vector_store %arg9[%swap3A_737, %swap3A_738], %swap3A_741 {strides = array<i32>} : memref<16x128xf32, #tpu.memory_space<vmem>>, vector<1x16xf32>,
    %broadcast_in_dim3A_742 = arith.constant 0.000000e+00 : f32
    %broadcast_in_dim3A_743 = vector.broadcast %broadcast_in_dim3A_742 : f32 to vector<16xf32>
    %swap3A_744 = arith.constant 11 : i32
    %swap3A_745 = arith.index_cast %swap3A_744 : i32 to index
    %swap3A_746 = arith.constant 80 : index
    %swap3A_747 = tpu.vector_load %arg9[%swap3A_745, %swap3A_746] {strides = array<i32>} : memref<16x128xf32, #tpu.memory_space<vmem>>, vector<1x16xf32>,
    %swap3A_748 = vector.shape_cast %swap3A_747 : vector<1x16xf32> to vector<16xf32>
    %swap3A_749 = vector.shape_cast %broadcast_in_dim3A_743 : vector<16xf32> to vector<1x16xf32>
    tpu.vector_store %arg9[%swap3A_745, %swap3A_746], %swap3A_749 {strides = array<i32>} : memref<16x128xf32, #tpu.memory_space<vmem>>, vector<1x16xf32>,
    %broadcast_in_dim3A_750 = arith.constant 0.000000e+00 : f32
    %broadcast_in_dim3A_751 = vector.broadcast %broadcast_in_dim3A_750 : f32 to vector<16xf32>
    %swap3A_752 = arith.constant 11 : i32
    %swap3A_753 = arith.index_cast %swap3A_752 : i32 to index
    %swap3A_754 = arith.constant 96 : index
    %swap3A_755 = tpu.vector_load %arg9[%swap3A_753, %swap3A_754] {strides = array<i32>} : memref<16x128xf32, #tpu.memory_space<vmem>>, vector<1x16xf32>,
    %swap3A_756 = vector.shape_cast %swap3A_755 : vector<1x16xf32> to vector<16xf32>
    %swap3A_757 = vector.shape_cast %broadcast_in_dim3A_751 : vector<16xf32> to vector<1x16xf32>
    tpu.vector_store %arg9[%swap3A_753, %swap3A_754], %swap3A_757 {strides = array<i32>} : memref<16x128xf32, #tpu.memory_space<vmem>>, vector<1x16xf32>,
    %broadcast_in_dim3A_758 = arith.constant 0.000000e+00 : f32
    %broadcast_in_dim3A_759 = vector.broadcast %broadcast_in_dim3A_758 : f32 to vector<16xf32>
    %swap3A_760 = arith.constant 11 : i32
    %swap3A_761 = arith.index_cast %swap3A_760 : i32 to index
    %swap3A_762 = arith.constant 112 : index
    %swap3A_763 = tpu.vector_load %arg9[%swap3A_761, %swap3A_762] {strides = array<i32>} : memref<16x128xf32, #tpu.memory_space<vmem>>, vector<1x16xf32>,
    %swap3A_764 = vector.shape_cast %swap3A_763 : vector<1x16xf32> to vector<16xf32>
    %swap3A_765 = vector.shape_cast %broadcast_in_dim3A_759 : vector<16xf32> to vector<1x16xf32>
    tpu.vector_store %arg9[%swap3A_761, %swap3A_762], %swap3A_765 {strides = array<i32>} : memref<16x128xf32, #tpu.memory_space<vmem>>, vector<1x16xf32>,
    %broadcast_in_dim3A_766 = arith.constant 0.000000e+00 : f32
    %broadcast_in_dim3A_767 = vector.broadcast %broadcast_in_dim3A_766 : f32 to vector<16xf32>
    %swap3A_768 = arith.constant 12 : i32
    %swap3A_769 = arith.index_cast %swap3A_768 : i32 to index
    %swap3A_770 = arith.constant 0 : index
    %swap3A_771 = tpu.vector_load %arg9[%swap3A_769, %swap3A_770] {strides = array<i32>} : memref<16x128xf32, #tpu.memory_space<vmem>>, vector<1x16xf32>,
    %swap3A_772 = vector.shape_cast %swap3A_771 : vector<1x16xf32> to vector<16xf32>
    %swap3A_773 = vector.shape_cast %broadcast_in_dim3A_767 : vector<16xf32> to vector<1x16xf32>
    tpu.vector_store %arg9[%swap3A_769, %swap3A_770], %swap3A_773 {strides = array<i32>} : memref<16x128xf32, #tpu.memory_space<vmem>>, vector<1x16xf32>,
    %broadcast_in_dim3A_774 = arith.constant 0.000000e+00 : f32
    %broadcast_in_dim3A_775 = vector.broadcast %broadcast_in_dim3A_774 : f32 to vector<16xf32>
    %swap3A_776 = arith.constant 12 : i32
    %swap3A_777 = arith.index_cast %swap3A_776 : i32 to index
    %swap3A_778 = arith.constant 16 : index
    %swap3A_779 = tpu.vector_load %arg9[%swap3A_777, %swap3A_778] {strides = array<i32>} : memref<16x128xf32, #tpu.memory_space<vmem>>, vector<1x16xf32>,
    %swap3A_780 = vector.shape_cast %swap3A_779 : vector<1x16xf32> to vector<16xf32>
    %swap3A_781 = vector.shape_cast %broadcast_in_dim3A_775 : vector<16xf32> to vector<1x16xf32>
    tpu.vector_store %arg9[%swap3A_777, %swap3A_778], %swap3A_781 {strides = array<i32>} : memref<16x128xf32, #tpu.memory_space<vmem>>, vector<1x16xf32>,
    %broadcast_in_dim3A_782 = arith.constant 0.000000e+00 : f32
    %broadcast_in_dim3A_783 = vector.broadcast %broadcast_in_dim3A_782 : f32 to vector<16xf32>
    %swap3A_784 = arith.constant 12 : i32
    %swap3A_785 = arith.index_cast %swap3A_784 : i32 to index
    %swap3A_786 = arith.constant 32 : index
    %swap3A_787 = tpu.vector_load %arg9[%swap3A_785, %swap3A_786] {strides = array<i32>} : memref<16x128xf32, #tpu.memory_space<vmem>>, vector<1x16xf32>,
    %swap3A_788 = vector.shape_cast %swap3A_787 : vector<1x16xf32> to vector<16xf32>
    %swap3A_789 = vector.shape_cast %broadcast_in_dim3A_783 : vector<16xf32> to vector<1x16xf32>
    tpu.vector_store %arg9[%swap3A_785, %swap3A_786], %swap3A_789 {strides = array<i32>} : memref<16x128xf32, #tpu.memory_space<vmem>>, vector<1x16xf32>,
    %broadcast_in_dim3A_790 = arith.constant 0.000000e+00 : f32
    %broadcast_in_dim3A_791 = vector.broadcast %broadcast_in_dim3A_790 : f32 to vector<16xf32>
    %swap3A_792 = arith.constant 12 : i32
    %swap3A_793 = arith.index_cast %swap3A_792 : i32 to index
    %swap3A_794 = arith.constant 48 : index
    %swap3A_795 = tpu.vector_load %arg9[%swap3A_793, %swap3A_794] {strides = array<i32>} : memref<16x128xf32, #tpu.memory_space<vmem>>, vector<1x16xf32>,
    %swap3A_796 = vector.shape_cast %swap3A_795 : vector<1x16xf32> to vector<16xf32>
    %swap3A_797 = vector.shape_cast %broadcast_in_dim3A_791 : vector<16xf32> to vector<1x16xf32>
    tpu.vector_store %arg9[%swap3A_793, %swap3A_794], %swap3A_797 {strides = array<i32>} : memref<16x128xf32, #tpu.memory_space<vmem>>, vector<1x16xf32>,
    %broadcast_in_dim3A_798 = arith.constant 0.000000e+00 : f32
    %broadcast_in_dim3A_799 = vector.broadcast %broadcast_in_dim3A_798 : f32 to vector<16xf32>
    %swap3A_800 = arith.constant 12 : i32
    %swap3A_801 = arith.index_cast %swap3A_800 : i32 to index
    %swap3A_802 = arith.constant 64 : index
    %swap3A_803 = tpu.vector_load %arg9[%swap3A_801, %swap3A_802] {strides = array<i32>} : memref<16x128xf32, #tpu.memory_space<vmem>>, vector<1x16xf32>,
    %swap3A_804 = vector.shape_cast %swap3A_803 : vector<1x16xf32> to vector<16xf32>
    %swap3A_805 = vector.shape_cast %broadcast_in_dim3A_799 : vector<16xf32> to vector<1x16xf32>
    tpu.vector_store %arg9[%swap3A_801, %swap3A_802], %swap3A_805 {strides = array<i32>} : memref<16x128xf32, #tpu.memory_space<vmem>>, vector<1x16xf32>,
    %broadcast_in_dim3A_806 = arith.constant 0.000000e+00 : f32
    %broadcast_in_dim3A_807 = vector.broadcast %broadcast_in_dim3A_806 : f32 to vector<16xf32>
    %swap3A_808 = arith.constant 12 : i32
    %swap3A_809 = arith.index_cast %swap3A_808 : i32 to index
    %swap3A_810 = arith.constant 80 : index
    %swap3A_811 = tpu.vector_load %arg9[%swap3A_809, %swap3A_810] {strides = array<i32>} : memref<16x128xf32, #tpu.memory_space<vmem>>, vector<1x16xf32>,
    %swap3A_812 = vector.shape_cast %swap3A_811 : vector<1x16xf32> to vector<16xf32>
    %swap3A_813 = vector.shape_cast %broadcast_in_dim3A_807 : vector<16xf32> to vector<1x16xf32>
    tpu.vector_store %arg9[%swap3A_809, %swap3A_810], %swap3A_813 {strides = array<i32>} : memref<16x128xf32, #tpu.memory_space<vmem>>, vector<1x16xf32>,
    %broadcast_in_dim3A_814 = arith.constant 0.000000e+00 : f32
    %broadcast_in_dim3A_815 = vector.broadcast %broadcast_in_dim3A_814 : f32 to vector<16xf32>
    %swap3A_816 = arith.constant 12 : i32
    %swap3A_817 = arith.index_cast %swap3A_816 : i32 to index
    %swap3A_818 = arith.constant 96 : index
    %swap3A_819 = tpu.vector_load %arg9[%swap3A_817, %swap3A_818] {strides = array<i32>} : memref<16x128xf32, #tpu.memory_space<vmem>>, vector<1x16xf32>,
    %swap3A_820 = vector.shape_cast %swap3A_819 : vector<1x16xf32> to vector<16xf32>
    %swap3A_821 = vector.shape_cast %broadcast_in_dim3A_815 : vector<16xf32> to vector<1x16xf32>
    tpu.vector_store %arg9[%swap3A_817, %swap3A_818], %swap3A_821 {strides = array<i32>} : memref<16x128xf32, #tpu.memory_space<vmem>>, vector<1x16xf32>,
    %broadcast_in_dim3A_822 = arith.constant 0.000000e+00 : f32
    %broadcast_in_dim3A_823 = vector.broadcast %broadcast_in_dim3A_822 : f32 to vector<16xf32>
    %swap3A_824 = arith.constant 12 : i32
    %swap3A_825 = arith.index_cast %swap3A_824 : i32 to index
    %swap3A_826 = arith.constant 112 : index
    %swap3A_827 = tpu.vector_load %arg9[%swap3A_825, %swap3A_826] {strides = array<i32>} : memref<16x128xf32, #tpu.memory_space<vmem>>, vector<1x16xf32>,
    %swap3A_828 = vector.shape_cast %swap3A_827 : vector<1x16xf32> to vector<16xf32>
    %swap3A_829 = vector.shape_cast %broadcast_in_dim3A_823 : vector<16xf32> to vector<1x16xf32>
    tpu.vector_store %arg9[%swap3A_825, %swap3A_826], %swap3A_829 {strides = array<i32>} : memref<16x128xf32, #tpu.memory_space<vmem>>, vector<1x16xf32>,
    %broadcast_in_dim3A_830 = arith.constant 0.000000e+00 : f32
    %broadcast_in_dim3A_831 = vector.broadcast %broadcast_in_dim3A_830 : f32 to vector<16xf32>
    %swap3A_832 = arith.constant 13 : i32
    %swap3A_833 = arith.index_cast %swap3A_832 : i32 to index
    %swap3A_834 = arith.constant 0 : index
    %swap3A_835 = tpu.vector_load %arg9[%swap3A_833, %swap3A_834] {strides = array<i32>} : memref<16x128xf32, #tpu.memory_space<vmem>>, vector<1x16xf32>,
    %swap3A_836 = vector.shape_cast %swap3A_835 : vector<1x16xf32> to vector<16xf32>
    %swap3A_837 = vector.shape_cast %broadcast_in_dim3A_831 : vector<16xf32> to vector<1x16xf32>
    tpu.vector_store %arg9[%swap3A_833, %swap3A_834], %swap3A_837 {strides = array<i32>} : memref<16x128xf32, #tpu.memory_space<vmem>>, vector<1x16xf32>,
    %broadcast_in_dim3A_838 = arith.constant 0.000000e+00 : f32
    %broadcast_in_dim3A_839 = vector.broadcast %broadcast_in_dim3A_838 : f32 to vector<16xf32>
    %swap3A_840 = arith.constant 13 : i32
    %swap3A_841 = arith.index_cast %swap3A_840 : i32 to index
    %swap3A_842 = arith.constant 16 : index
    %swap3A_843 = tpu.vector_load %arg9[%swap3A_841, %swap3A_842] {strides = array<i32>} : memref<16x128xf32, #tpu.memory_space<vmem>>, vector<1x16xf32>,
    %swap3A_844 = vector.shape_cast %swap3A_843 : vector<1x16xf32> to vector<16xf32>
    %swap3A_845 = vector.shape_cast %broadcast_in_dim3A_839 : vector<16xf32> to vector<1x16xf32>
    tpu.vector_store %arg9[%swap3A_841, %swap3A_842], %swap3A_845 {strides = array<i32>} : memref<16x128xf32, #tpu.memory_space<vmem>>, vector<1x16xf32>,
    %broadcast_in_dim3A_846 = arith.constant 0.000000e+00 : f32
    %broadcast_in_dim3A_847 = vector.broadcast %broadcast_in_dim3A_846 : f32 to vector<16xf32>
    %swap3A_848 = arith.constant 13 : i32
    %swap3A_849 = arith.index_cast %swap3A_848 : i32 to index
    %swap3A_850 = arith.constant 32 : index
    %swap3A_851 = tpu.vector_load %arg9[%swap3A_849, %swap3A_850] {strides = array<i32>} : memref<16x128xf32, #tpu.memory_space<vmem>>, vector<1x16xf32>,
    %swap3A_852 = vector.shape_cast %swap3A_851 : vector<1x16xf32> to vector<16xf32>
    %swap3A_853 = vector.shape_cast %broadcast_in_dim3A_847 : vector<16xf32> to vector<1x16xf32>
    tpu.vector_store %arg9[%swap3A_849, %swap3A_850], %swap3A_853 {strides = array<i32>} : memref<16x128xf32, #tpu.memory_space<vmem>>, vector<1x16xf32>,
    %broadcast_in_dim3A_854 = arith.constant 0.000000e+00 : f32
    %broadcast_in_dim3A_855 = vector.broadcast %broadcast_in_dim3A_854 : f32 to vector<16xf32>
    %swap3A_856 = arith.constant 13 : i32
    %swap3A_857 = arith.index_cast %swap3A_856 : i32 to index
    %swap3A_858 = arith.constant 48 : index
    %swap3A_859 = tpu.vector_load %arg9[%swap3A_857, %swap3A_858] {strides = array<i32>} : memref<16x128xf32, #tpu.memory_space<vmem>>, vector<1x16xf32>,
    %swap3A_860 = vector.shape_cast %swap3A_859 : vector<1x16xf32> to vector<16xf32>
    %swap3A_861 = vector.shape_cast %broadcast_in_dim3A_855 : vector<16xf32> to vector<1x16xf32>
    tpu.vector_store %arg9[%swap3A_857, %swap3A_858], %swap3A_861 {strides = array<i32>} : memref<16x128xf32, #tpu.memory_space<vmem>>, vector<1x16xf32>,
    %broadcast_in_dim3A_862 = arith.constant 0.000000e+00 : f32
    %broadcast_in_dim3A_863 = vector.broadcast %broadcast_in_dim3A_862 : f32 to vector<16xf32>
    %swap3A_864 = arith.constant 13 : i32
    %swap3A_865 = arith.index_cast %swap3A_864 : i32 to index
    %swap3A_866 = arith.constant 64 : index
    %swap3A_867 = tpu.vector_load %arg9[%swap3A_865, %swap3A_866] {strides = array<i32>} : memref<16x128xf32, #tpu.memory_space<vmem>>, vector<1x16xf32>,
    %swap3A_868 = vector.shape_cast %swap3A_867 : vector<1x16xf32> to vector<16xf32>
    %swap3A_869 = vector.shape_cast %broadcast_in_dim3A_863 : vector<16xf32> to vector<1x16xf32>
    tpu.vector_store %arg9[%swap3A_865, %swap3A_866], %swap3A_869 {strides = array<i32>} : memref<16x128xf32, #tpu.memory_space<vmem>>, vector<1x16xf32>,
    %broadcast_in_dim3A_870 = arith.constant 0.000000e+00 : f32
    %broadcast_in_dim3A_871 = vector.broadcast %broadcast_in_dim3A_870 : f32 to vector<16xf32>
    %swap3A_872 = arith.constant 13 : i32
    %swap3A_873 = arith.index_cast %swap3A_872 : i32 to index
    %swap3A_874 = arith.constant 80 : index
    %swap3A_875 = tpu.vector_load %arg9[%swap3A_873, %swap3A_874] {strides = array<i32>} : memref<16x128xf32, #tpu.memory_space<vmem>>, vector<1x16xf32>,
    %swap3A_876 = vector.shape_cast %swap3A_875 : vector<1x16xf32> to vector<16xf32>
    %swap3A_877 = vector.shape_cast %broadcast_in_dim3A_871 : vector<16xf32> to vector<1x16xf32>
    tpu.vector_store %arg9[%swap3A_873, %swap3A_874], %swap3A_877 {strides = array<i32>} : memref<16x128xf32, #tpu.memory_space<vmem>>, vector<1x16xf32>,
    %broadcast_in_dim3A_878 = arith.constant 0.000000e+00 : f32
    %broadcast_in_dim3A_879 = vector.broadcast %broadcast_in_dim3A_878 : f32 to vector<16xf32>
    %swap3A_880 = arith.constant 13 : i32
    %swap3A_881 = arith.index_cast %swap3A_880 : i32 to index
    %swap3A_882 = arith.constant 96 : index
    %swap3A_883 = tpu.vector_load %arg9[%swap3A_881, %swap3A_882] {strides = array<i32>} : memref<16x128xf32, #tpu.memory_space<vmem>>, vector<1x16xf32>,
    %swap3A_884 = vector.shape_cast %swap3A_883 : vector<1x16xf32> to vector<16xf32>
    %swap3A_885 = vector.shape_cast %broadcast_in_dim3A_879 : vector<16xf32> to vector<1x16xf32>
    tpu.vector_store %arg9[%swap3A_881, %swap3A_882], %swap3A_885 {strides = array<i32>} : memref<16x128xf32, #tpu.memory_space<vmem>>, vector<1x16xf32>,
    %broadcast_in_dim3A_886 = arith.constant 0.000000e+00 : f32
    %broadcast_in_dim3A_887 = vector.broadcast %broadcast_in_dim3A_886 : f32 to vector<16xf32>
    %swap3A_888 = arith.constant 13 : i32
    %swap3A_889 = arith.index_cast %swap3A_888 : i32 to index
    %swap3A_890 = arith.constant 112 : index
    %swap3A_891 = tpu.vector_load %arg9[%swap3A_889, %swap3A_890] {strides = array<i32>} : memref<16x128xf32, #tpu.memory_space<vmem>>, vector<1x16xf32>,
    %swap3A_892 = vector.shape_cast %swap3A_891 : vector<1x16xf32> to vector<16xf32>
    %swap3A_893 = vector.shape_cast %broadcast_in_dim3A_887 : vector<16xf32> to vector<1x16xf32>
    tpu.vector_store %arg9[%swap3A_889, %swap3A_890], %swap3A_893 {strides = array<i32>} : memref<16x128xf32, #tpu.memory_space<vmem>>, vector<1x16xf32>,
    %broadcast_in_dim3A_894 = arith.constant 0.000000e+00 : f32
    %broadcast_in_dim3A_895 = vector.broadcast %broadcast_in_dim3A_894 : f32 to vector<16xf32>
    %swap3A_896 = arith.constant 14 : i32
    %swap3A_897 = arith.index_cast %swap3A_896 : i32 to index
    %swap3A_898 = arith.constant 0 : index
    %swap3A_899 = tpu.vector_load %arg9[%swap3A_897, %swap3A_898] {strides = array<i32>} : memref<16x128xf32, #tpu.memory_space<vmem>>, vector<1x16xf32>,
    %swap3A_900 = vector.shape_cast %swap3A_899 : vector<1x16xf32> to vector<16xf32>
    %swap3A_901 = vector.shape_cast %broadcast_in_dim3A_895 : vector<16xf32> to vector<1x16xf32>
    tpu.vector_store %arg9[%swap3A_897, %swap3A_898], %swap3A_901 {strides = array<i32>} : memref<16x128xf32, #tpu.memory_space<vmem>>, vector<1x16xf32>,
    %broadcast_in_dim3A_902 = arith.constant 0.000000e+00 : f32
    %broadcast_in_dim3A_903 = vector.broadcast %broadcast_in_dim3A_902 : f32 to vector<16xf32>
    %swap3A_904 = arith.constant 14 : i32
    %swap3A_905 = arith.index_cast %swap3A_904 : i32 to index
    %swap3A_906 = arith.constant 16 : index
    %swap3A_907 = tpu.vector_load %arg9[%swap3A_905, %swap3A_906] {strides = array<i32>} : memref<16x128xf32, #tpu.memory_space<vmem>>, vector<1x16xf32>,
    %swap3A_908 = vector.shape_cast %swap3A_907 : vector<1x16xf32> to vector<16xf32>
    %swap3A_909 = vector.shape_cast %broadcast_in_dim3A_903 : vector<16xf32> to vector<1x16xf32>
    tpu.vector_store %arg9[%swap3A_905, %swap3A_906], %swap3A_909 {strides = array<i32>} : memref<16x128xf32, #tpu.memory_space<vmem>>, vector<1x16xf32>,
    %broadcast_in_dim3A_910 = arith.constant 0.000000e+00 : f32
    %broadcast_in_dim3A_911 = vector.broadcast %broadcast_in_dim3A_910 : f32 to vector<16xf32>
    %swap3A_912 = arith.constant 14 : i32
    %swap3A_913 = arith.index_cast %swap3A_912 : i32 to index
    %swap3A_914 = arith.constant 32 : index
    %swap3A_915 = tpu.vector_load %arg9[%swap3A_913, %swap3A_914] {strides = array<i32>} : memref<16x128xf32, #tpu.memory_space<vmem>>, vector<1x16xf32>,
    %swap3A_916 = vector.shape_cast %swap3A_915 : vector<1x16xf32> to vector<16xf32>
    %swap3A_917 = vector.shape_cast %broadcast_in_dim3A_911 : vector<16xf32> to vector<1x16xf32>
    tpu.vector_store %arg9[%swap3A_913, %swap3A_914], %swap3A_917 {strides = array<i32>} : memref<16x128xf32, #tpu.memory_space<vmem>>, vector<1x16xf32>,
    %broadcast_in_dim3A_918 = arith.constant 0.000000e+00 : f32
    %broadcast_in_dim3A_919 = vector.broadcast %broadcast_in_dim3A_918 : f32 to vector<16xf32>
    %swap3A_920 = arith.constant 14 : i32
    %swap3A_921 = arith.index_cast %swap3A_920 : i32 to index
    %swap3A_922 = arith.constant 48 : index
    %swap3A_923 = tpu.vector_load %arg9[%swap3A_921, %swap3A_922] {strides = array<i32>} : memref<16x128xf32, #tpu.memory_space<vmem>>, vector<1x16xf32>,
    %swap3A_924 = vector.shape_cast %swap3A_923 : vector<1x16xf32> to vector<16xf32>
    %swap3A_925 = vector.shape_cast %broadcast_in_dim3A_919 : vector<16xf32> to vector<1x16xf32>
    tpu.vector_store %arg9[%swap3A_921, %swap3A_922], %swap3A_925 {strides = array<i32>} : memref<16x128xf32, #tpu.memory_space<vmem>>, vector<1x16xf32>,
    %broadcast_in_dim3A_926 = arith.constant 0.000000e+00 : f32
    %broadcast_in_dim3A_927 = vector.broadcast %broadcast_in_dim3A_926 : f32 to vector<16xf32>
    %swap3A_928 = arith.constant 14 : i32
    %swap3A_929 = arith.index_cast %swap3A_928 : i32 to index
    %swap3A_930 = arith.constant 64 : index
    %swap3A_931 = tpu.vector_load %arg9[%swap3A_929, %swap3A_930] {strides = array<i32>} : memref<16x128xf32, #tpu.memory_space<vmem>>, vector<1x16xf32>,
    %swap3A_932 = vector.shape_cast %swap3A_931 : vector<1x16xf32> to vector<16xf32>
    %swap3A_933 = vector.shape_cast %broadcast_in_dim3A_927 : vector<16xf32> to vector<1x16xf32>
    tpu.vector_store %arg9[%swap3A_929, %swap3A_930], %swap3A_933 {strides = array<i32>} : memref<16x128xf32, #tpu.memory_space<vmem>>, vector<1x16xf32>,
    %broadcast_in_dim3A_934 = arith.constant 0.000000e+00 : f32
    %broadcast_in_dim3A_935 = vector.broadcast %broadcast_in_dim3A_934 : f32 to vector<16xf32>
    %swap3A_936 = arith.constant 14 : i32
    %swap3A_937 = arith.index_cast %swap3A_936 : i32 to index
    %swap3A_938 = arith.constant 80 : index
    %swap3A_939 = tpu.vector_load %arg9[%swap3A_937, %swap3A_938] {strides = array<i32>} : memref<16x128xf32, #tpu.memory_space<vmem>>, vector<1x16xf32>,
    %swap3A_940 = vector.shape_cast %swap3A_939 : vector<1x16xf32> to vector<16xf32>
    %swap3A_941 = vector.shape_cast %broadcast_in_dim3A_935 : vector<16xf32> to vector<1x16xf32>
    tpu.vector_store %arg9[%swap3A_937, %swap3A_938], %swap3A_941 {strides = array<i32>} : memref<16x128xf32, #tpu.memory_space<vmem>>, vector<1x16xf32>,
    %broadcast_in_dim3A_942 = arith.constant 0.000000e+00 : f32
    %broadcast_in_dim3A_943 = vector.broadcast %broadcast_in_dim3A_942 : f32 to vector<16xf32>
    %swap3A_944 = arith.constant 14 : i32
    %swap3A_945 = arith.index_cast %swap3A_944 : i32 to index
    %swap3A_946 = arith.constant 96 : index
    %swap3A_947 = tpu.vector_load %arg9[%swap3A_945, %swap3A_946] {strides = array<i32>} : memref<16x128xf32, #tpu.memory_space<vmem>>, vector<1x16xf32>,
    %swap3A_948 = vector.shape_cast %swap3A_947 : vector<1x16xf32> to vector<16xf32>
    %swap3A_949 = vector.shape_cast %broadcast_in_dim3A_943 : vector<16xf32> to vector<1x16xf32>
    tpu.vector_store %arg9[%swap3A_945, %swap3A_946], %swap3A_949 {strides = array<i32>} : memref<16x128xf32, #tpu.memory_space<vmem>>, vector<1x16xf32>,
    %broadcast_in_dim3A_950 = arith.constant 0.000000e+00 : f32
    %broadcast_in_dim3A_951 = vector.broadcast %broadcast_in_dim3A_950 : f32 to vector<16xf32>
    %swap3A_952 = arith.constant 14 : i32
    %swap3A_953 = arith.index_cast %swap3A_952 : i32 to index
    %swap3A_954 = arith.constant 112 : index
    %swap3A_955 = tpu.vector_load %arg9[%swap3A_953, %swap3A_954] {strides = array<i32>} : memref<16x128xf32, #tpu.memory_space<vmem>>, vector<1x16xf32>,
    %swap3A_956 = vector.shape_cast %swap3A_955 : vector<1x16xf32> to vector<16xf32>
    %swap3A_957 = vector.shape_cast %broadcast_in_dim3A_951 : vector<16xf32> to vector<1x16xf32>
    tpu.vector_store %arg9[%swap3A_953, %swap3A_954], %swap3A_957 {strides = array<i32>} : memref<16x128xf32, #tpu.memory_space<vmem>>, vector<1x16xf32>,
    %broadcast_in_dim3A_958 = arith.constant 0.000000e+00 : f32
    %broadcast_in_dim3A_959 = vector.broadcast %broadcast_in_dim3A_958 : f32 to vector<16xf32>
    %swap3A_960 = arith.constant 15 : i32
    %swap3A_961 = arith.index_cast %swap3A_960 : i32 to index
    %swap3A_962 = arith.constant 0 : index
    %swap3A_963 = tpu.vector_load %arg9[%swap3A_961, %swap3A_962] {strides = array<i32>} : memref<16x128xf32, #tpu.memory_space<vmem>>, vector<1x16xf32>,
    %swap3A_964 = vector.shape_cast %swap3A_963 : vector<1x16xf32> to vector<16xf32>
    %swap3A_965 = vector.shape_cast %broadcast_in_dim3A_959 : vector<16xf32> to vector<1x16xf32>
    tpu.vector_store %arg9[%swap3A_961, %swap3A_962], %swap3A_965 {strides = array<i32>} : memref<16x128xf32, #tpu.memory_space<vmem>>, vector<1x16xf32>,
    %broadcast_in_dim3A_966 = arith.constant 0.000000e+00 : f32
    %broadcast_in_dim3A_967 = vector.broadcast %broadcast_in_dim3A_966 : f32 to vector<16xf32>
    %swap3A_968 = arith.constant 15 : i32
    %swap3A_969 = arith.index_cast %swap3A_968 : i32 to index
    %swap3A_970 = arith.constant 16 : index
    %swap3A_971 = tpu.vector_load %arg9[%swap3A_969, %swap3A_970] {strides = array<i32>} : memref<16x128xf32, #tpu.memory_space<vmem>>, vector<1x16xf32>,
    %swap3A_972 = vector.shape_cast %swap3A_971 : vector<1x16xf32> to vector<16xf32>
    %swap3A_973 = vector.shape_cast %broadcast_in_dim3A_967 : vector<16xf32> to vector<1x16xf32>
    tpu.vector_store %arg9[%swap3A_969, %swap3A_970], %swap3A_973 {strides = array<i32>} : memref<16x128xf32, #tpu.memory_space<vmem>>, vector<1x16xf32>,
    %broadcast_in_dim3A_974 = arith.constant 0.000000e+00 : f32
    %broadcast_in_dim3A_975 = vector.broadcast %broadcast_in_dim3A_974 : f32 to vector<16xf32>
    %swap3A_976 = arith.constant 15 : i32
    %swap3A_977 = arith.index_cast %swap3A_976 : i32 to index
    %swap3A_978 = arith.constant 32 : index
    %swap3A_979 = tpu.vector_load %arg9[%swap3A_977, %swap3A_978] {strides = array<i32>} : memref<16x128xf32, #tpu.memory_space<vmem>>, vector<1x16xf32>,
    %swap3A_980 = vector.shape_cast %swap3A_979 : vector<1x16xf32> to vector<16xf32>
    %swap3A_981 = vector.shape_cast %broadcast_in_dim3A_975 : vector<16xf32> to vector<1x16xf32>
    tpu.vector_store %arg9[%swap3A_977, %swap3A_978], %swap3A_981 {strides = array<i32>} : memref<16x128xf32, #tpu.memory_space<vmem>>, vector<1x16xf32>,
    %broadcast_in_dim3A_982 = arith.constant 0.000000e+00 : f32
    %broadcast_in_dim3A_983 = vector.broadcast %broadcast_in_dim3A_982 : f32 to vector<16xf32>
    %swap3A_984 = arith.constant 15 : i32
    %swap3A_985 = arith.index_cast %swap3A_984 : i32 to index
    %swap3A_986 = arith.constant 48 : index
    %swap3A_987 = tpu.vector_load %arg9[%swap3A_985, %swap3A_986] {strides = array<i32>} : memref<16x128xf32, #tpu.memory_space<vmem>>, vector<1x16xf32>,
    %swap3A_988 = vector.shape_cast %swap3A_987 : vector<1x16xf32> to vector<16xf32>
    %swap3A_989 = vector.shape_cast %broadcast_in_dim3A_983 : vector<16xf32> to vector<1x16xf32>
    tpu.vector_store %arg9[%swap3A_985, %swap3A_986], %swap3A_989 {strides = array<i32>} : memref<16x128xf32, #tpu.memory_space<vmem>>, vector<1x16xf32>,
    %broadcast_in_dim3A_990 = arith.constant 0.000000e+00 : f32
    %broadcast_in_dim3A_991 = vector.broadcast %broadcast_in_dim3A_990 : f32 to vector<16xf32>
    %swap3A_992 = arith.constant 15 : i32
    %swap3A_993 = arith.index_cast %swap3A_992 : i32 to index
    %swap3A_994 = arith.constant 64 : index
    %swap3A_995 = tpu.vector_load %arg9[%swap3A_993, %swap3A_994] {strides = array<i32>} : memref<16x128xf32, #tpu.memory_space<vmem>>, vector<1x16xf32>,
    %swap3A_996 = vector.shape_cast %swap3A_995 : vector<1x16xf32> to vector<16xf32>
    %swap3A_997 = vector.shape_cast %broadcast_in_dim3A_991 : vector<16xf32> to vector<1x16xf32>
    tpu.vector_store %arg9[%swap3A_993, %swap3A_994], %swap3A_997 {strides = array<i32>} : memref<16x128xf32, #tpu.memory_space<vmem>>, vector<1x16xf32>,
    %broadcast_in_dim3A_998 = arith.constant 0.000000e+00 : f32
    %broadcast_in_dim3A_999 = vector.broadcast %broadcast_in_dim3A_998 : f32 to vector<16xf32>
    %swap3A_1000 = arith.constant 15 : i32
    %swap3A_1001 = arith.index_cast %swap3A_1000 : i32 to index
    %swap3A_1002 = arith.constant 80 : index
    %swap3A_1003 = tpu.vector_load %arg9[%swap3A_1001, %swap3A_1002] {strides = array<i32>} : memref<16x128xf32, #tpu.memory_space<vmem>>, vector<1x16xf32>,
    %swap3A_1004 = vector.shape_cast %swap3A_1003 : vector<1x16xf32> to vector<16xf32>
    %swap3A_1005 = vector.shape_cast %broadcast_in_dim3A_999 : vector<16xf32> to vector<1x16xf32>
    tpu.vector_store %arg9[%swap3A_1001, %swap3A_1002], %swap3A_1005 {strides = array<i32>} : memref<16x128xf32, #tpu.memory_space<vmem>>, vector<1x16xf32>,
    %broadcast_in_dim3A_1006 = arith.constant 0.000000e+00 : f32
    %broadcast_in_dim3A_1007 = vector.broadcast %broadcast_in_dim3A_1006 : f32 to vector<16xf32>
    %swap3A_1008 = arith.constant 15 : i32
    %swap3A_1009 = arith.index_cast %swap3A_1008 : i32 to index
    %swap3A_1010 = arith.constant 96 : index
    %swap3A_1011 = tpu.vector_load %arg9[%swap3A_1009, %swap3A_1010] {strides = array<i32>} : memref<16x128xf32, #tpu.memory_space<vmem>>, vector<1x16xf32>,
    %swap3A_1012 = vector.shape_cast %swap3A_1011 : vector<1x16xf32> to vector<16xf32>
    %swap3A_1013 = vector.shape_cast %broadcast_in_dim3A_1007 : vector<16xf32> to vector<1x16xf32>
    tpu.vector_store %arg9[%swap3A_1009, %swap3A_1010], %swap3A_1013 {strides = array<i32>} : memref<16x128xf32, #tpu.memory_space<vmem>>, vector<1x16xf32>,
    %broadcast_in_dim3A_1014 = arith.constant 0.000000e+00 : f32
    %broadcast_in_dim3A_1015 = vector.broadcast %broadcast_in_dim3A_1014 : f32 to vector<16xf32>
    %swap3A_1016 = arith.constant 15 : i32
    %swap3A_1017 = arith.index_cast %swap3A_1016 : i32 to index
    %swap3A_1018 = arith.constant 112 : index
    %swap3A_1019 = tpu.vector_load %arg9[%swap3A_1017, %swap3A_1018] {strides = array<i32>} : memref<16x128xf32, #tpu.memory_space<vmem>>, vector<1x16xf32>,
    %swap3A_1020 = vector.shape_cast %swap3A_1019 : vector<1x16xf32> to vector<16xf32>
    %swap3A_1021 = vector.shape_cast %broadcast_in_dim3A_1015 : vector<16xf32> to vector<1x16xf32>
    tpu.vector_store %arg9[%swap3A_1017, %swap3A_1018], %swap3A_1021 {strides = array<i32>} : memref<16x128xf32, #tpu.memory_space<vmem>>, vector<1x16xf32>,
    %scan3A = arith.constant 0 : i32
    %scan3A_1022 = arith.constant 0 : i32
    %scan3A_1023 = arith.constant 10 : i32
    %scan3A_1024 = arith.addi %scan3A_1022, %scan3A_1023 : i32
    %scan3A_1025 = arith.constant 1 : i32
    scf.for %scan3A_1041 = %scan3A_1022 to %scan3A_1024 step %scan3A_1025  : i32 {
      %mul3A_1042 = arith.constant 160 : i32
      %mul3A_1043 = arith.muli %arg1, %mul3A_1042 : i32
      %mul3A_1044 = arith.constant 16 : i32
      %mul3A_1045 = arith.muli %scan3A_1041, %mul3A_1044 : i32
      %add3A = arith.addi %mul3A_1043, %mul3A_1045 : i32
      "tpu.region"() ({
        %run_scoped3A = tpu.sem_alloc : memref<!tpu.dma_semaphore, #tpu.memory_space<semaphore_mem>>
        %dma_start3A = arith.constant 0 : i32
        %dma_start3A_1046 = tpu.memref_slice %arg10[%add3A, %dma_start3A] : memref<2560x128xf32, #tpu.memory_space<vmem_shared>> -> memref<16x128xf32, #tpu.memory_space<vmem_shared>>
        %dma_start3A_1047 = arith.constant 0 : i32
        %dma_start3A_1048 = tpu.memref_slice %arg10[%add3A, %dma_start3A_1047] : memref<2560x128xf32, #tpu.memory_space<vmem_shared>> -> memref<16x128xf32, #tpu.memory_space<vmem_shared>>
        tpu.enqueue_dma source(%arg9 : memref<16x128xf32, #tpu.memory_space<vmem>>) target(%dma_start3A_1048 : memref<16x128xf32, #tpu.memory_space<vmem_shared>>) target_semaphore(%run_scoped3A : memref<!tpu.dma_semaphore, #tpu.memory_space<semaphore_mem>>)
        %dma_wait3A = arith.constant 0 : i32
        %dma_wait3A_1049 = tpu.memref_slice %arg10[%add3A, %dma_wait3A] : memref<2560x128xf32, #tpu.memory_space<vmem_shared>> -> memref<16x128xf32, #tpu.memory_space<vmem_shared>>
        %dma_wait3A_1050 = arith.constant 0 : i32
        %dma_wait3A_1051 = tpu.memref_slice %arg10[%add3A, %dma_wait3A_1050] : memref<2560x128xf32, #tpu.memory_space<vmem_shared>> -> memref<16x128xf32, #tpu.memory_space<vmem_shared>>
        tpu.wait_dma2 semaphore(%run_scoped3A : memref<!tpu.dma_semaphore, #tpu.memory_space<semaphore_mem>>) src(%arg9 : memref<16x128xf32, #tpu.memory_space<vmem>>) dst(%dma_wait3A_1051 : memref<16x128xf32, #tpu.memory_space<vmem_shared>>)
        tpu.yield
      }) : () -> ()
    }
    %scan3A_1026 = arith.constant 10 : i32
    %mul3A = arith.constant 160 : i32
    %mul3A_1027 = arith.muli %arg1, %mul3A : i32
    "tpu.region"() ({
      %run_scoped3A = tpu.sem_alloc : memref<!tpu.dma_semaphore, #tpu.memory_space<semaphore_mem>>
      %dma_start3A = arith.constant 0 : i32
      %dma_start3A_1041 = tpu.memref_slice %arg3[%arg0, %mul3A_1027, %dma_start3A] : memref<2x2560x128xi32, #tpu.memory_space<hbm>> -> memref<1x160x128xi32, #tpu.memory_space<hbm>>
      %dma_start3A_1042 = tpu.memref_squeeze %dma_start3A_1041 : memref<1x160x128xi32, #tpu.memory_space<hbm>> -> memref<160x128xi32, #tpu.memory_space<hbm>>
      %dma_start3A_1043 = arith.constant 0 : i32
      %dma_start3A_1044 = tpu.memref_slice %arg3[%arg0, %mul3A_1027, %dma_start3A_1043] : memref<2x2560x128xi32, #tpu.memory_space<hbm>> -> memref<1x160x128xi32, #tpu.memory_space<hbm>>
      %dma_start3A_1045 = tpu.memref_squeeze %dma_start3A_1044 : memref<1x160x128xi32, #tpu.memory_space<hbm>> -> memref<160x128xi32, #tpu.memory_space<hbm>>
      tpu.enqueue_dma source(%dma_start3A_1045 : memref<160x128xi32, #tpu.memory_space<hbm>>) target(%arg6 : memref<160x128xi32, #tpu.memory_space<vmem>>) target_semaphore(%run_scoped3A : memref<!tpu.dma_semaphore, #tpu.memory_space<semaphore_mem>>)
      %dma_wait3A = arith.constant 0 : i32
      %dma_wait3A_1046 = tpu.memref_slice %arg3[%arg0, %mul3A_1027, %dma_wait3A] : memref<2x2560x128xi32, #tpu.memory_space<hbm>> -> memref<1x160x128xi32, #tpu.memory_space<hbm>>
      %dma_wait3A_1047 = tpu.memref_squeeze %dma_wait3A_1046 : memref<1x160x128xi32, #tpu.memory_space<hbm>> -> memref<160x128xi32, #tpu.memory_space<hbm>>
      %dma_wait3A_1048 = arith.constant 0 : i32
      %dma_wait3A_1049 = tpu.memref_slice %arg3[%arg0, %mul3A_1027, %dma_wait3A_1048] : memref<2x2560x128xi32, #tpu.memory_space<hbm>> -> memref<1x160x128xi32, #tpu.memory_space<hbm>>
      %dma_wait3A_1050 = tpu.memref_squeeze %dma_wait3A_1049 : memref<1x160x128xi32, #tpu.memory_space<hbm>> -> memref<160x128xi32, #tpu.memory_space<hbm>>
      tpu.wait_dma2 semaphore(%run_scoped3A : memref<!tpu.dma_semaphore, #tpu.memory_space<semaphore_mem>>) src(%dma_wait3A_1050 : memref<160x128xi32, #tpu.memory_space<hbm>>) dst(%arg6 : memref<160x128xi32, #tpu.memory_space<vmem>>)
      tpu.yield
    }) : () -> ()
    %mul3A_1028 = arith.constant 160 : i32
    %mul3A_1029 = arith.muli %arg1, %mul3A_1028 : i32
    "tpu.region"() ({
      %run_scoped3A = tpu.sem_alloc : memref<!tpu.dma_semaphore, #tpu.memory_space<semaphore_mem>>
      %dma_start3A = arith.constant 0 : i32
      %dma_start3A_1041 = tpu.memref_slice %arg4[%arg0, %mul3A_1029, %dma_start3A] : memref<2x2560x128xi32, #tpu.memory_space<hbm>> -> memref<1x160x128xi32, #tpu.memory_space<hbm>>
      %dma_start3A_1042 = tpu.memref_squeeze %dma_start3A_1041 : memref<1x160x128xi32, #tpu.memory_space<hbm>> -> memref<160x128xi32, #tpu.memory_space<hbm>>
      %dma_start3A_1043 = arith.constant 0 : i32
      %dma_start3A_1044 = tpu.memref_slice %arg4[%arg0, %mul3A_1029, %dma_start3A_1043] : memref<2x2560x128xi32, #tpu.memory_space<hbm>> -> memref<1x160x128xi32, #tpu.memory_space<hbm>>
      %dma_start3A_1045 = tpu.memref_squeeze %dma_start3A_1044 : memref<1x160x128xi32, #tpu.memory_space<hbm>> -> memref<160x128xi32, #tpu.memory_space<hbm>>
      tpu.enqueue_dma source(%dma_start3A_1045 : memref<160x128xi32, #tpu.memory_space<hbm>>) target(%arg7 : memref<160x128xi32, #tpu.memory_space<vmem>>) target_semaphore(%run_scoped3A : memref<!tpu.dma_semaphore, #tpu.memory_space<semaphore_mem>>)
      %dma_wait3A = arith.constant 0 : i32
      %dma_wait3A_1046 = tpu.memref_slice %arg4[%arg0, %mul3A_1029, %dma_wait3A] : memref<2x2560x128xi32, #tpu.memory_space<hbm>> -> memref<1x160x128xi32, #tpu.memory_space<hbm>>
      %dma_wait3A_1047 = tpu.memref_squeeze %dma_wait3A_1046 : memref<1x160x128xi32, #tpu.memory_space<hbm>> -> memref<160x128xi32, #tpu.memory_space<hbm>>
      %dma_wait3A_1048 = arith.constant 0 : i32
      %dma_wait3A_1049 = tpu.memref_slice %arg4[%arg0, %mul3A_1029, %dma_wait3A_1048] : memref<2x2560x128xi32, #tpu.memory_space<hbm>> -> memref<1x160x128xi32, #tpu.memory_space<hbm>>
      %dma_wait3A_1050 = tpu.memref_squeeze %dma_wait3A_1049 : memref<1x160x128xi32, #tpu.memory_space<hbm>> -> memref<160x128xi32, #tpu.memory_space<hbm>>
      tpu.wait_dma2 semaphore(%run_scoped3A : memref<!tpu.dma_semaphore, #tpu.memory_space<semaphore_mem>>) src(%dma_wait3A_1050 : memref<160x128xi32, #tpu.memory_space<hbm>>) dst(%arg7 : memref<160x128xi32, #tpu.memory_space<vmem>>)
      tpu.yield
    }) : () -> ()
    %barrier3A = arith.constant 0 : index
    tpu.barrier barrier_id(%barrier3A)
    %scan3A_1030 = arith.constant 0 : i32
    %scan3A_1031 = arith.constant 0 : i32
    %scan3A_1032 = arith.constant 40 : i32
    %scan3A_1033 = arith.addi %scan3A_1031, %scan3A_1032 : i32
    %scan3A_1034 = arith.constant 1 : i32
    scf.for %scan3A_1041 = %scan3A_1031 to %scan3A_1033 step %scan3A_1034  : i32 {
      %mul3A_1042 = arith.constant 4 : i32
      %mul3A_1043 = arith.muli %scan3A_1041, %mul3A_1042 : i32
      %add3A = arith.constant 0 : i32
      %add3A_1044 = arith.addi %mul3A_1043, %add3A : i32
      %dma_start3A = arith.constant 0 : i32
      %dma_start3A_1045 = arith.constant 0 : i32
      %dma_start3A_1046 = arith.constant 0 : i32
      %dma_start3A_1047 = tpu.memref_slice %arg8[%dma_start3A, %dma_start3A_1045, %dma_start3A_1046] : memref<4x128x128xf32, #tpu.memory_space<vmem>> -> memref<1x128x128xf32, #tpu.memory_space<vmem>>
      %dma_start3A_1048 = tpu.memref_squeeze %dma_start3A_1047 : memref<1x128x128xf32, #tpu.memory_space<vmem>> -> memref<128x128xf32, #tpu.memory_space<vmem>>
      %dma_start3A_1049 = arith.constant 0 : i32
      %dma_start3A_1050 = tpu.memref_slice %arg6[%add3A_1044, %dma_start3A_1049] : memref<160x128xi32, #tpu.memory_space<vmem>> -> memref<1x128xi32, #tpu.memory_space<vmem>>
      %dma_start3A_1051 = tpu.memref_squeeze %dma_start3A_1050 : memref<1x128xi32, #tpu.memory_space<vmem>> -> memref<128xi32, #tpu.memory_space<vmem>>
      %dma_start3A_1052 = arith.constant 0 : i32
      %dma_start3A_1053 = arith.constant 0 : i32
      %dma_start3A_1054 = tpu.memref_slice %arg2[%dma_start3A_1052, %dma_start3A_1053] : memref<10240x128xf32, #tpu.memory_space<hbm>> -> memref<10240x128xf32, #tpu.memory_space<hbm>>
      %dma_start3A_1055 = arith.constant 1073741824 : i32
      tpu.enqueue_indirect_dma source(%dma_start3A_1054 : memref<10240x128xf32, #tpu.memory_space<hbm>>) target(%dma_start3A_1048 : memref<128x128xf32, #tpu.memory_space<vmem>>) offsets(%dma_start3A_1051 : memref<128xi32, #tpu.memory_space<vmem>>) offset_filter(%dma_start3A_1055) semaphore(%arg11 : memref<!tpu.dma_semaphore, #tpu.memory_space<semaphore_mem>>)
      %add3A_1056 = arith.constant 1 : i32
      %add3A_1057 = arith.addi %mul3A_1043, %add3A_1056 : i32
      %dma_start3A_1058 = arith.constant 1 : i32
      %dma_start3A_1059 = arith.constant 0 : i32
      %dma_start3A_1060 = arith.constant 0 : i32
      %dma_start3A_1061 = tpu.memref_slice %arg8[%dma_start3A_1058, %dma_start3A_1059, %dma_start3A_1060] : memref<4x128x128xf32, #tpu.memory_space<vmem>> -> memref<1x128x128xf32, #tpu.memory_space<vmem>>
      %dma_start3A_1062 = tpu.memref_squeeze %dma_start3A_1061 : memref<1x128x128xf32, #tpu.memory_space<vmem>> -> memref<128x128xf32, #tpu.memory_space<vmem>>
      %dma_start3A_1063 = arith.constant 0 : i32
      %dma_start3A_1064 = tpu.memref_slice %arg6[%add3A_1057, %dma_start3A_1063] : memref<160x128xi32, #tpu.memory_space<vmem>> -> memref<1x128xi32, #tpu.memory_space<vmem>>
      %dma_start3A_1065 = tpu.memref_squeeze %dma_start3A_1064 : memref<1x128xi32, #tpu.memory_space<vmem>> -> memref<128xi32, #tpu.memory_space<vmem>>
      %dma_start3A_1066 = arith.constant 0 : i32
      %dma_start3A_1067 = arith.constant 0 : i32
      %dma_start3A_1068 = tpu.memref_slice %arg2[%dma_start3A_1066, %dma_start3A_1067] : memref<10240x128xf32, #tpu.memory_space<hbm>> -> memref<10240x128xf32, #tpu.memory_space<hbm>>
      %dma_start3A_1069 = arith.constant 1073741824 : i32
      tpu.enqueue_indirect_dma source(%dma_start3A_1068 : memref<10240x128xf32, #tpu.memory_space<hbm>>) target(%dma_start3A_1062 : memref<128x128xf32, #tpu.memory_space<vmem>>) offsets(%dma_start3A_1065 : memref<128xi32, #tpu.memory_space<vmem>>) offset_filter(%dma_start3A_1069) semaphore(%arg11 : memref<!tpu.dma_semaphore, #tpu.memory_space<semaphore_mem>>)
      %add3A_1070 = arith.constant 2 : i32
      %add3A_1071 = arith.addi %mul3A_1043, %add3A_1070 : i32
      %dma_start3A_1072 = arith.constant 2 : i32
      %dma_start3A_1073 = arith.constant 0 : i32
      %dma_start3A_1074 = arith.constant 0 : i32
      %dma_start3A_1075 = tpu.memref_slice %arg8[%dma_start3A_1072, %dma_start3A_1073, %dma_start3A_1074] : memref<4x128x128xf32, #tpu.memory_space<vmem>> -> memref<1x128x128xf32, #tpu.memory_space<vmem>>
      %dma_start3A_1076 = tpu.memref_squeeze %dma_start3A_1075 : memref<1x128x128xf32, #tpu.memory_space<vmem>> -> memref<128x128xf32, #tpu.memory_space<vmem>>
      %dma_start3A_1077 = arith.constant 0 : i32
      %dma_start3A_1078 = tpu.memref_slice %arg6[%add3A_1071, %dma_start3A_1077] : memref<160x128xi32, #tpu.memory_space<vmem>> -> memref<1x128xi32, #tpu.memory_space<vmem>>
      %dma_start3A_1079 = tpu.memref_squeeze %dma_start3A_1078 : memref<1x128xi32, #tpu.memory_space<vmem>> -> memref<128xi32, #tpu.memory_space<vmem>>
      %dma_start3A_1080 = arith.constant 0 : i32
      %dma_start3A_1081 = arith.constant 0 : i32
      %dma_start3A_1082 = tpu.memref_slice %arg2[%dma_start3A_1080, %dma_start3A_1081] : memref<10240x128xf32, #tpu.memory_space<hbm>> -> memref<10240x128xf32, #tpu.memory_space<hbm>>
      %dma_start3A_1083 = arith.constant 1073741824 : i32
      tpu.enqueue_indirect_dma source(%dma_start3A_1082 : memref<10240x128xf32, #tpu.memory_space<hbm>>) target(%dma_start3A_1076 : memref<128x128xf32, #tpu.memory_space<vmem>>) offsets(%dma_start3A_1079 : memref<128xi32, #tpu.memory_space<vmem>>) offset_filter(%dma_start3A_1083) semaphore(%arg11 : memref<!tpu.dma_semaphore, #tpu.memory_space<semaphore_mem>>)
      %add3A_1084 = arith.constant 3 : i32
      %add3A_1085 = arith.addi %mul3A_1043, %add3A_1084 : i32
      %dma_start3A_1086 = arith.constant 3 : i32
      %dma_start3A_1087 = arith.constant 0 : i32
      %dma_start3A_1088 = arith.constant 0 : i32
      %dma_start3A_1089 = tpu.memref_slice %arg8[%dma_start3A_1086, %dma_start3A_1087, %dma_start3A_1088] : memref<4x128x128xf32, #tpu.memory_space<vmem>> -> memref<1x128x128xf32, #tpu.memory_space<vmem>>
      %dma_start3A_1090 = tpu.memref_squeeze %dma_start3A_1089 : memref<1x128x128xf32, #tpu.memory_space<vmem>> -> memref<128x128xf32, #tpu.memory_space<vmem>>
      %dma_start3A_1091 = arith.constant 0 : i32
      %dma_start3A_1092 = tpu.memref_slice %arg6[%add3A_1085, %dma_start3A_1091] : memref<160x128xi32, #tpu.memory_space<vmem>> -> memref<1x128xi32, #tpu.memory_space<vmem>>
      %dma_start3A_1093 = tpu.memref_squeeze %dma_start3A_1092 : memref<1x128xi32, #tpu.memory_space<vmem>> -> memref<128xi32, #tpu.memory_space<vmem>>
      %dma_start3A_1094 = arith.constant 0 : i32
      %dma_start3A_1095 = arith.constant 0 : i32
      %dma_start3A_1096 = tpu.memref_slice %arg2[%dma_start3A_1094, %dma_start3A_1095] : memref<10240x128xf32, #tpu.memory_space<hbm>> -> memref<10240x128xf32, #tpu.memory_space<hbm>>
      %dma_start3A_1097 = arith.constant 1073741824 : i32
      tpu.enqueue_indirect_dma source(%dma_start3A_1096 : memref<10240x128xf32, #tpu.memory_space<hbm>>) target(%dma_start3A_1090 : memref<128x128xf32, #tpu.memory_space<vmem>>) offsets(%dma_start3A_1093 : memref<128xi32, #tpu.memory_space<vmem>>) offset_filter(%dma_start3A_1097) semaphore(%arg11 : memref<!tpu.dma_semaphore, #tpu.memory_space<semaphore_mem>>)
      %dma_wait3A = arith.constant 0 : i32
      %dma_wait3A_1098 = arith.constant 0 : i32
      %dma_wait3A_1099 = arith.constant 0 : i32
      %dma_wait3A_1100 = tpu.memref_slice %arg8[%dma_wait3A, %dma_wait3A_1098, %dma_wait3A_1099] : memref<4x128x128xf32, #tpu.memory_space<vmem>> -> memref<1x128x128xf32, #tpu.memory_space<vmem>>
      %dma_wait3A_1101 = tpu.memref_squeeze %dma_wait3A_1100 : memref<1x128x128xf32, #tpu.memory_space<vmem>> -> memref<128x128xf32, #tpu.memory_space<vmem>>
      %dma_wait3A_1102 = arith.constant 0 : i32
      %dma_wait3A_1103 = tpu.memref_slice %arg6[%add3A_1044, %dma_wait3A_1102] : memref<160x128xi32, #tpu.memory_space<vmem>> -> memref<1x128xi32, #tpu.memory_space<vmem>>
      %dma_wait3A_1104 = tpu.memref_squeeze %dma_wait3A_1103 : memref<1x128xi32, #tpu.memory_space<vmem>> -> memref<128xi32, #tpu.memory_space<vmem>>
      %dma_wait3A_1105 = arith.constant 0 : i32
      %dma_wait3A_1106 = arith.constant 0 : i32
      %dma_wait3A_1107 = tpu.memref_slice %arg2[%dma_wait3A_1105, %dma_wait3A_1106] : memref<10240x128xf32, #tpu.memory_space<hbm>> -> memref<10240x128xf32, #tpu.memory_space<hbm>>
      tpu.wait_indirect_dma semaphore(%arg11 : memref<!tpu.dma_semaphore, #tpu.memory_space<semaphore_mem>>) src(%dma_wait3A_1107 : memref<10240x128xf32, #tpu.memory_space<hbm>>) dst(%dma_wait3A_1101 : memref<128x128xf32, #tpu.memory_space<vmem>>)
      %dma_wait3A_1108 = arith.constant 1 : i32
      %dma_wait3A_1109 = arith.constant 0 : i32
      %dma_wait3A_1110 = arith.constant 0 : i32
      %dma_wait3A_1111 = tpu.memref_slice %arg8[%dma_wait3A_1108, %dma_wait3A_1109, %dma_wait3A_1110] : memref<4x128x128xf32, #tpu.memory_space<vmem>> -> memref<1x128x128xf32, #tpu.memory_space<vmem>>
      %dma_wait3A_1112 = tpu.memref_squeeze %dma_wait3A_1111 : memref<1x128x128xf32, #tpu.memory_space<vmem>> -> memref<128x128xf32, #tpu.memory_space<vmem>>
      %dma_wait3A_1113 = arith.constant 0 : i32
      %dma_wait3A_1114 = tpu.memref_slice %arg6[%add3A_1057, %dma_wait3A_1113] : memref<160x128xi32, #tpu.memory_space<vmem>> -> memref<1x128xi32, #tpu.memory_space<vmem>>
      %dma_wait3A_1115 = tpu.memref_squeeze %dma_wait3A_1114 : memref<1x128xi32, #tpu.memory_space<vmem>> -> memref<128xi32, #tpu.memory_space<vmem>>
      %dma_wait3A_1116 = arith.constant 0 : i32
      %dma_wait3A_1117 = arith.constant 0 : i32
      %dma_wait3A_1118 = tpu.memref_slice %arg2[%dma_wait3A_1116, %dma_wait3A_1117] : memref<10240x128xf32, #tpu.memory_space<hbm>> -> memref<10240x128xf32, #tpu.memory_space<hbm>>
      tpu.wait_indirect_dma semaphore(%arg11 : memref<!tpu.dma_semaphore, #tpu.memory_space<semaphore_mem>>) src(%dma_wait3A_1118 : memref<10240x128xf32, #tpu.memory_space<hbm>>) dst(%dma_wait3A_1112 : memref<128x128xf32, #tpu.memory_space<vmem>>)
      %dma_wait3A_1119 = arith.constant 2 : i32
      %dma_wait3A_1120 = arith.constant 0 : i32
      %dma_wait3A_1121 = arith.constant 0 : i32
      %dma_wait3A_1122 = tpu.memref_slice %arg8[%dma_wait3A_1119, %dma_wait3A_1120, %dma_wait3A_1121] : memref<4x128x128xf32, #tpu.memory_space<vmem>> -> memref<1x128x128xf32, #tpu.memory_space<vmem>>
      %dma_wait3A_1123 = tpu.memref_squeeze %dma_wait3A_1122 : memref<1x128x128xf32, #tpu.memory_space<vmem>> -> memref<128x128xf32, #tpu.memory_space<vmem>>
      %dma_wait3A_1124 = arith.constant 0 : i32
      %dma_wait3A_1125 = tpu.memref_slice %arg6[%add3A_1071, %dma_wait3A_1124] : memref<160x128xi32, #tpu.memory_space<vmem>> -> memref<1x128xi32, #tpu.memory_space<vmem>>
      %dma_wait3A_1126 = tpu.memref_squeeze %dma_wait3A_1125 : memref<1x128xi32, #tpu.memory_space<vmem>> -> memref<128xi32, #tpu.memory_space<vmem>>
      %dma_wait3A_1127 = arith.constant 0 : i32
      %dma_wait3A_1128 = arith.constant 0 : i32
      %dma_wait3A_1129 = tpu.memref_slice %arg2[%dma_wait3A_1127, %dma_wait3A_1128] : memref<10240x128xf32, #tpu.memory_space<hbm>> -> memref<10240x128xf32, #tpu.memory_space<hbm>>
      tpu.wait_indirect_dma semaphore(%arg11 : memref<!tpu.dma_semaphore, #tpu.memory_space<semaphore_mem>>) src(%dma_wait3A_1129 : memref<10240x128xf32, #tpu.memory_space<hbm>>) dst(%dma_wait3A_1123 : memref<128x128xf32, #tpu.memory_space<vmem>>)
      %dma_wait3A_1130 = arith.constant 3 : i32
      %dma_wait3A_1131 = arith.constant 0 : i32
      %dma_wait3A_1132 = arith.constant 0 : i32
      %dma_wait3A_1133 = tpu.memref_slice %arg8[%dma_wait3A_1130, %dma_wait3A_1131, %dma_wait3A_1132] : memref<4x128x128xf32, #tpu.memory_space<vmem>> -> memref<1x128x128xf32, #tpu.memory_space<vmem>>
      %dma_wait3A_1134 = tpu.memref_squeeze %dma_wait3A_1133 : memref<1x128x128xf32, #tpu.memory_space<vmem>> -> memref<128x128xf32, #tpu.memory_space<vmem>>
      %dma_wait3A_1135 = arith.constant 0 : i32
      %dma_wait3A_1136 = tpu.memref_slice %arg6[%add3A_1085, %dma_wait3A_1135] : memref<160x128xi32, #tpu.memory_space<vmem>> -> memref<1x128xi32, #tpu.memory_space<vmem>>
      %dma_wait3A_1137 = tpu.memref_squeeze %dma_wait3A_1136 : memref<1x128xi32, #tpu.memory_space<vmem>> -> memref<128xi32, #tpu.memory_space<vmem>>
      %dma_wait3A_1138 = arith.constant 0 : i32
      %dma_wait3A_1139 = arith.constant 0 : i32
      %dma_wait3A_1140 = tpu.memref_slice %arg2[%dma_wait3A_1138, %dma_wait3A_1139] : memref<10240x128xf32, #tpu.memory_space<hbm>> -> memref<10240x128xf32, #tpu.memory_space<hbm>>
      tpu.wait_indirect_dma semaphore(%arg11 : memref<!tpu.dma_semaphore, #tpu.memory_space<semaphore_mem>>) src(%dma_wait3A_1140 : memref<10240x128xf32, #tpu.memory_space<hbm>>) dst(%dma_wait3A_1134 : memref<128x128xf32, #tpu.memory_space<vmem>>)
      %add3A_1141 = arith.constant 0 : i32
      %add3A_1142 = arith.addi %mul3A_1043, %add3A_1141 : i32
      %run_scoped3A = arith.constant 0 : i32
      "tpu.region"() ({
        %run_scoped3A_1152 = tpu.sem_alloc : memref<!tpu.dma_semaphore, #tpu.memory_space<semaphore_mem>>
        %dma_start3A_1153 = arith.constant 0 : i32
        %dma_start3A_1154 = arith.constant 0 : i32
        %dma_start3A_1155 = tpu.memref_slice %arg8[%run_scoped3A, %dma_start3A_1153, %dma_start3A_1154] : memref<4x128x128xf32, #tpu.memory_space<vmem>> -> memref<1x128x128xf32, #tpu.memory_space<vmem>>
        %dma_start3A_1156 = tpu.memref_squeeze %dma_start3A_1155 : memref<1x128x128xf32, #tpu.memory_space<vmem>> -> memref<128x128xf32, #tpu.memory_space<vmem>>
        %dma_start3A_1157 = arith.constant 0 : i32
        %dma_start3A_1158 = tpu.memref_slice %arg7[%add3A_1142, %dma_start3A_1157] : memref<160x128xi32, #tpu.memory_space<vmem>> -> memref<1x128xi32, #tpu.memory_space<vmem>>
        %dma_start3A_1159 = tpu.memref_squeeze %dma_start3A_1158 : memref<1x128xi32, #tpu.memory_space<vmem>> -> memref<128xi32, #tpu.memory_space<vmem>>
        %dma_start3A_1160 = arith.constant 0 : i32
        %dma_start3A_1161 = arith.constant 0 : i32
        %dma_start3A_1162 = tpu.memref_slice %arg10[%dma_start3A_1160, %dma_start3A_1161] : memref<2560x128xf32, #tpu.memory_space<vmem_shared>> -> memref<2560x128xf32, #tpu.memory_space<vmem_shared>>
        %dma_start3A_1163 = arith.constant 1073741824 : i32
        tpu.enqueue_indirect_dma source(%dma_start3A_1156 : memref<128x128xf32, #tpu.memory_space<vmem>>) target(%dma_start3A_1162 : memref<2560x128xf32, #tpu.memory_space<vmem_shared>>) offsets(%dma_start3A_1159 : memref<128xi32, #tpu.memory_space<vmem>>) offset_filter(%dma_start3A_1163) semaphore(%run_scoped3A_1152 : memref<!tpu.dma_semaphore, #tpu.memory_space<semaphore_mem>>) {add = true}
        %dma_wait3A_1164 = arith.constant 0 : i32
        %dma_wait3A_1165 = arith.constant 0 : i32
        %dma_wait3A_1166 = tpu.memref_slice %arg8[%run_scoped3A, %dma_wait3A_1164, %dma_wait3A_1165] : memref<4x128x128xf32, #tpu.memory_space<vmem>> -> memref<1x128x128xf32, #tpu.memory_space<vmem>>
        %dma_wait3A_1167 = tpu.memref_squeeze %dma_wait3A_1166 : memref<1x128x128xf32, #tpu.memory_space<vmem>> -> memref<128x128xf32, #tpu.memory_space<vmem>>
        %dma_wait3A_1168 = arith.constant 0 : i32
        %dma_wait3A_1169 = tpu.memref_slice %arg7[%add3A_1142, %dma_wait3A_1168] : memref<160x128xi32, #tpu.memory_space<vmem>> -> memref<1x128xi32, #tpu.memory_space<vmem>>
        %dma_wait3A_1170 = tpu.memref_squeeze %dma_wait3A_1169 : memref<1x128xi32, #tpu.memory_space<vmem>> -> memref<128xi32, #tpu.memory_space<vmem>>
        %dma_wait3A_1171 = arith.constant 0 : i32
        %dma_wait3A_1172 = arith.constant 0 : i32
        %dma_wait3A_1173 = tpu.memref_slice %arg10[%dma_wait3A_1171, %dma_wait3A_1172] : memref<2560x128xf32, #tpu.memory_space<vmem_shared>> -> memref<2560x128xf32, #tpu.memory_space<vmem_shared>>
        tpu.wait_indirect_dma semaphore(%run_scoped3A_1152 : memref<!tpu.dma_semaphore, #tpu.memory_space<semaphore_mem>>) src(%dma_wait3A_1167 : memref<128x128xf32, #tpu.memory_space<vmem>>) dst(%dma_wait3A_1173 : memref<2560x128xf32, #tpu.memory_space<vmem_shared>>)
        tpu.yield
      }) : () -> ()
      %add3A_1143 = arith.constant 1 : i32
      %add3A_1144 = arith.addi %mul3A_1043, %add3A_1143 : i32
      %run_scoped3A_1145 = arith.constant 1 : i32
      "tpu.region"() ({
        %run_scoped3A_1152 = tpu.sem_alloc : memref<!tpu.dma_semaphore, #tpu.memory_space<semaphore_mem>>
        %dma_start3A_1153 = arith.constant 0 : i32
        %dma_start3A_1154 = arith.constant 0 : i32
        %dma_start3A_1155 = tpu.memref_slice %arg8[%run_scoped3A_1145, %dma_start3A_1153, %dma_start3A_1154] : memref<4x128x128xf32, #tpu.memory_space<vmem>> -> memref<1x128x128xf32, #tpu.memory_space<vmem>>
        %dma_start3A_1156 = tpu.memref_squeeze %dma_start3A_1155 : memref<1x128x128xf32, #tpu.memory_space<vmem>> -> memref<128x128xf32, #tpu.memory_space<vmem>>
        %dma_start3A_1157 = arith.constant 0 : i32
        %dma_start3A_1158 = tpu.memref_slice %arg7[%add3A_1144, %dma_start3A_1157] : memref<160x128xi32, #tpu.memory_space<vmem>> -> memref<1x128xi32, #tpu.memory_space<vmem>>
        %dma_start3A_1159 = tpu.memref_squeeze %dma_start3A_1158 : memref<1x128xi32, #tpu.memory_space<vmem>> -> memref<128xi32, #tpu.memory_space<vmem>>
        %dma_start3A_1160 = arith.constant 0 : i32
        %dma_start3A_1161 = arith.constant 0 : i32
        %dma_start3A_1162 = tpu.memref_slice %arg10[%dma_start3A_1160, %dma_start3A_1161] : memref<2560x128xf32, #tpu.memory_space<vmem_shared>> -> memref<2560x128xf32, #tpu.memory_space<vmem_shared>>
        %dma_start3A_1163 = arith.constant 1073741824 : i32
        tpu.enqueue_indirect_dma source(%dma_start3A_1156 : memref<128x128xf32, #tpu.memory_space<vmem>>) target(%dma_start3A_1162 : memref<2560x128xf32, #tpu.memory_space<vmem_shared>>) offsets(%dma_start3A_1159 : memref<128xi32, #tpu.memory_space<vmem>>) offset_filter(%dma_start3A_1163) semaphore(%run_scoped3A_1152 : memref<!tpu.dma_semaphore, #tpu.memory_space<semaphore_mem>>) {add = true}
        %dma_wait3A_1164 = arith.constant 0 : i32
        %dma_wait3A_1165 = arith.constant 0 : i32
        %dma_wait3A_1166 = tpu.memref_slice %arg8[%run_scoped3A_1145, %dma_wait3A_1164, %dma_wait3A_1165] : memref<4x128x128xf32, #tpu.memory_space<vmem>> -> memref<1x128x128xf32, #tpu.memory_space<vmem>>
        %dma_wait3A_1167 = tpu.memref_squeeze %dma_wait3A_1166 : memref<1x128x128xf32, #tpu.memory_space<vmem>> -> memref<128x128xf32, #tpu.memory_space<vmem>>
        %dma_wait3A_1168 = arith.constant 0 : i32
        %dma_wait3A_1169 = tpu.memref_slice %arg7[%add3A_1144, %dma_wait3A_1168] : memref<160x128xi32, #tpu.memory_space<vmem>> -> memref<1x128xi32, #tpu.memory_space<vmem>>
        %dma_wait3A_1170 = tpu.memref_squeeze %dma_wait3A_1169 : memref<1x128xi32, #tpu.memory_space<vmem>> -> memref<128xi32, #tpu.memory_space<vmem>>
        %dma_wait3A_1171 = arith.constant 0 : i32
        %dma_wait3A_1172 = arith.constant 0 : i32
        %dma_wait3A_1173 = tpu.memref_slice %arg10[%dma_wait3A_1171, %dma_wait3A_1172] : memref<2560x128xf32, #tpu.memory_space<vmem_shared>> -> memref<2560x128xf32, #tpu.memory_space<vmem_shared>>
        tpu.wait_indirect_dma semaphore(%run_scoped3A_1152 : memref<!tpu.dma_semaphore, #tpu.memory_space<semaphore_mem>>) src(%dma_wait3A_1167 : memref<128x128xf32, #tpu.memory_space<vmem>>) dst(%dma_wait3A_1173 : memref<2560x128xf32, #tpu.memory_space<vmem_shared>>)
        tpu.yield
      }) : () -> ()
      %add3A_1146 = arith.constant 2 : i32
      %add3A_1147 = arith.addi %mul3A_1043, %add3A_1146 : i32
      %run_scoped3A_1148 = arith.constant 2 : i32
      "tpu.region"() ({
        %run_scoped3A_1152 = tpu.sem_alloc : memref<!tpu.dma_semaphore, #tpu.memory_space<semaphore_mem>>
        %dma_start3A_1153 = arith.constant 0 : i32
        %dma_start3A_1154 = arith.constant 0 : i32
        %dma_start3A_1155 = tpu.memref_slice %arg8[%run_scoped3A_1148, %dma_start3A_1153, %dma_start3A_1154] : memref<4x128x128xf32, #tpu.memory_space<vmem>> -> memref<1x128x128xf32, #tpu.memory_space<vmem>>
        %dma_start3A_1156 = tpu.memref_squeeze %dma_start3A_1155 : memref<1x128x128xf32, #tpu.memory_space<vmem>> -> memref<128x128xf32, #tpu.memory_space<vmem>>
        %dma_start3A_1157 = arith.constant 0 : i32
        %dma_start3A_1158 = tpu.memref_slice %arg7[%add3A_1147, %dma_start3A_1157] : memref<160x128xi32, #tpu.memory_space<vmem>> -> memref<1x128xi32, #tpu.memory_space<vmem>>
        %dma_start3A_1159 = tpu.memref_squeeze %dma_start3A_1158 : memref<1x128xi32, #tpu.memory_space<vmem>> -> memref<128xi32, #tpu.memory_space<vmem>>
        %dma_start3A_1160 = arith.constant 0 : i32
        %dma_start3A_1161 = arith.constant 0 : i32
        %dma_start3A_1162 = tpu.memref_slice %arg10[%dma_start3A_1160, %dma_start3A_1161] : memref<2560x128xf32, #tpu.memory_space<vmem_shared>> -> memref<2560x128xf32, #tpu.memory_space<vmem_shared>>
        %dma_start3A_1163 = arith.constant 1073741824 : i32
        tpu.enqueue_indirect_dma source(%dma_start3A_1156 : memref<128x128xf32, #tpu.memory_space<vmem>>) target(%dma_start3A_1162 : memref<2560x128xf32, #tpu.memory_space<vmem_shared>>) offsets(%dma_start3A_1159 : memref<128xi32, #tpu.memory_space<vmem>>) offset_filter(%dma_start3A_1163) semaphore(%run_scoped3A_1152 : memref<!tpu.dma_semaphore, #tpu.memory_space<semaphore_mem>>) {add = true}
        %dma_wait3A_1164 = arith.constant 0 : i32
        %dma_wait3A_1165 = arith.constant 0 : i32
        %dma_wait3A_1166 = tpu.memref_slice %arg8[%run_scoped3A_1148, %dma_wait3A_1164, %dma_wait3A_1165] : memref<4x128x128xf32, #tpu.memory_space<vmem>> -> memref<1x128x128xf32, #tpu.memory_space<vmem>>
        %dma_wait3A_1167 = tpu.memref_squeeze %dma_wait3A_1166 : memref<1x128x128xf32, #tpu.memory_space<vmem>> -> memref<128x128xf32, #tpu.memory_space<vmem>>
        %dma_wait3A_1168 = arith.constant 0 : i32
        %dma_wait3A_1169 = tpu.memref_slice %arg7[%add3A_1147, %dma_wait3A_1168] : memref<160x128xi32, #tpu.memory_space<vmem>> -> memref<1x128xi32, #tpu.memory_space<vmem>>
        %dma_wait3A_1170 = tpu.memref_squeeze %dma_wait3A_1169 : memref<1x128xi32, #tpu.memory_space<vmem>> -> memref<128xi32, #tpu.memory_space<vmem>>
        %dma_wait3A_1171 = arith.constant 0 : i32
        %dma_wait3A_1172 = arith.constant 0 : i32
        %dma_wait3A_1173 = tpu.memref_slice %arg10[%dma_wait3A_1171, %dma_wait3A_1172] : memref<2560x128xf32, #tpu.memory_space<vmem_shared>> -> memref<2560x128xf32, #tpu.memory_space<vmem_shared>>
        tpu.wait_indirect_dma semaphore(%run_scoped3A_1152 : memref<!tpu.dma_semaphore, #tpu.memory_space<semaphore_mem>>) src(%dma_wait3A_1167 : memref<128x128xf32, #tpu.memory_space<vmem>>) dst(%dma_wait3A_1173 : memref<2560x128xf32, #tpu.memory_space<vmem_shared>>)
        tpu.yield
      }) : () -> ()
      %add3A_1149 = arith.constant 3 : i32
      %add3A_1150 = arith.addi %mul3A_1043, %add3A_1149 : i32
      %run_scoped3A_1151 = arith.constant 3 : i32
      "tpu.region"() ({
        %run_scoped3A_1152 = tpu.sem_alloc : memref<!tpu.dma_semaphore, #tpu.memory_space<semaphore_mem>>
        %dma_start3A_1153 = arith.constant 0 : i32
        %dma_start3A_1154 = arith.constant 0 : i32
        %dma_start3A_1155 = tpu.memref_slice %arg8[%run_scoped3A_1151, %dma_start3A_1153, %dma_start3A_1154] : memref<4x128x128xf32, #tpu.memory_space<vmem>> -> memref<1x128x128xf32, #tpu.memory_space<vmem>>
        %dma_start3A_1156 = tpu.memref_squeeze %dma_start3A_1155 : memref<1x128x128xf32, #tpu.memory_space<vmem>> -> memref<128x128xf32, #tpu.memory_space<vmem>>
        %dma_start3A_1157 = arith.constant 0 : i32
        %dma_start3A_1158 = tpu.memref_slice %arg7[%add3A_1150, %dma_start3A_1157] : memref<160x128xi32, #tpu.memory_space<vmem>> -> memref<1x128xi32, #tpu.memory_space<vmem>>
        %dma_start3A_1159 = tpu.memref_squeeze %dma_start3A_1158 : memref<1x128xi32, #tpu.memory_space<vmem>> -> memref<128xi32, #tpu.memory_space<vmem>>
        %dma_start3A_1160 = arith.constant 0 : i32
        %dma_start3A_1161 = arith.constant 0 : i32
        %dma_start3A_1162 = tpu.memref_slice %arg10[%dma_start3A_1160, %dma_start3A_1161] : memref<2560x128xf32, #tpu.memory_space<vmem_shared>> -> memref<2560x128xf32, #tpu.memory_space<vmem_shared>>
        %dma_start3A_1163 = arith.constant 1073741824 : i32
        tpu.enqueue_indirect_dma source(%dma_start3A_1156 : memref<128x128xf32, #tpu.memory_space<vmem>>) target(%dma_start3A_1162 : memref<2560x128xf32, #tpu.memory_space<vmem_shared>>) offsets(%dma_start3A_1159 : memref<128xi32, #tpu.memory_space<vmem>>) offset_filter(%dma_start3A_1163) semaphore(%run_scoped3A_1152 : memref<!tpu.dma_semaphore, #tpu.memory_space<semaphore_mem>>) {add = true}
        %dma_wait3A_1164 = arith.constant 0 : i32
        %dma_wait3A_1165 = arith.constant 0 : i32
        %dma_wait3A_1166 = tpu.memref_slice %arg8[%run_scoped3A_1151, %dma_wait3A_1164, %dma_wait3A_1165] : memref<4x128x128xf32, #tpu.memory_space<vmem>> -> memref<1x128x128xf32, #tpu.memory_space<vmem>>
        %dma_wait3A_1167 = tpu.memref_squeeze %dma_wait3A_1166 : memref<1x128x128xf32, #tpu.memory_space<vmem>> -> memref<128x128xf32, #tpu.memory_space<vmem>>
        %dma_wait3A_1168 = arith.constant 0 : i32
        %dma_wait3A_1169 = tpu.memref_slice %arg7[%add3A_1150, %dma_wait3A_1168] : memref<160x128xi32, #tpu.memory_space<vmem>> -> memref<1x128xi32, #tpu.memory_space<vmem>>
        %dma_wait3A_1170 = tpu.memref_squeeze %dma_wait3A_1169 : memref<1x128xi32, #tpu.memory_space<vmem>> -> memref<128xi32, #tpu.memory_space<vmem>>
        %dma_wait3A_1171 = arith.constant 0 : i32
        %dma_wait3A_1172 = arith.constant 0 : i32
        %dma_wait3A_1173 = tpu.memref_slice %arg10[%dma_wait3A_1171, %dma_wait3A_1172] : memref<2560x128xf32, #tpu.memory_space<vmem_shared>> -> memref<2560x128xf32, #tpu.memory_space<vmem_shared>>
        tpu.wait_indirect_dma semaphore(%run_scoped3A_1152 : memref<!tpu.dma_semaphore, #tpu.memory_space<semaphore_mem>>) src(%dma_wait3A_1167 : memref<128x128xf32, #tpu.memory_space<vmem>>) dst(%dma_wait3A_1173 : memref<2560x128xf32, #tpu.memory_space<vmem_shared>>)
        tpu.yield
      }) : () -> ()
    }
    %scan3A_1035 = arith.constant 40 : i32
    %barrier3A_1036 = arith.constant 0 : index
    tpu.barrier barrier_id(%barrier3A_1036)
    %mul3A_1037 = arith.constant 160 : i32
    %mul3A_1038 = arith.muli %arg1, %mul3A_1037 : i32
    %mul3A_1039 = arith.constant 160 : i32
    %mul3A_1040 = arith.muli %arg1, %mul3A_1039 : i32
    "tpu.region"() ({
      %run_scoped3A = tpu.sem_alloc : memref<!tpu.dma_semaphore, #tpu.memory_space<semaphore_mem>>
      %dma_start3A = arith.constant 0 : i32
      %dma_start3A_1041 = tpu.memref_slice %arg5[%arg0, %mul3A_1040, %dma_start3A] : memref<2x2560x128xf32, #tpu.memory_space<hbm>> -> memref<1x160x128xf32, #tpu.memory_space<hbm>>
      %dma_start3A_1042 = tpu.memref_squeeze %dma_start3A_1041 : memref<1x160x128xf32, #tpu.memory_space<hbm>> -> memref<160x128xf32, #tpu.memory_space<hbm>>
      %dma_start3A_1043 = arith.constant 0 : i32
      %dma_start3A_1044 = tpu.memref_slice %arg10[%mul3A_1038, %dma_start3A_1043] : memref<2560x128xf32, #tpu.memory_space<vmem_shared>> -> memref<160x128xf32, #tpu.memory_space<vmem_shared>>
      tpu.enqueue_dma source(%dma_start3A_1044 : memref<160x128xf32, #tpu.memory_space<vmem_shared>>) target(%dma_start3A_1042 : memref<160x128xf32, #tpu.memory_space<hbm>>) target_semaphore(%run_scoped3A : memref<!tpu.dma_semaphore, #tpu.memory_space<semaphore_mem>>)
      %dma_wait3A = arith.constant 0 : i32
      %dma_wait3A_1045 = tpu.memref_slice %arg5[%arg0, %mul3A_1040, %dma_wait3A] : memref<2x2560x128xf32, #tpu.memory_space<hbm>> -> memref<1x160x128xf32, #tpu.memory_space<hbm>>
      %dma_wait3A_1046 = tpu.memref_squeeze %dma_wait3A_1045 : memref<1x160x128xf32, #tpu.memory_space<hbm>> -> memref<160x128xf32, #tpu.memory_space<hbm>>
      %dma_wait3A_1047 = arith.constant 0 : i32
      %dma_wait3A_1048 = tpu.memref_slice %arg10[%mul3A_1038, %dma_wait3A_1047] : memref<2560x128xf32, #tpu.memory_space<vmem_shared>> -> memref<160x128xf32, #tpu.memory_space<vmem_shared>>
      tpu.wait_dma2 semaphore(%run_scoped3A : memref<!tpu.dma_semaphore, #tpu.memory_space<semaphore_mem>>) src(%dma_wait3A_1048 : memref<160x128xf32, #tpu.memory_space<vmem_shared>>) dst(%dma_wait3A_1046 : memref<160x128xf32, #tpu.memory_space<hbm>>)
      tpu.yield
    }) : () -> ()
    return
  }
}

module attributes {stable_mosaic.version = 14 : i64} {
  func.func @body(%arg0: memref<10000x128xf32, #tpu.memory_space<vmem>>, %arg1: memref<128x128xf32, #tpu.memory_space<vmem>>, %arg2: memref<10000x1xf32, #tpu.memory_space<vmem>>, %arg3: memref<10240x128xf32, #tpu.memory_space<vmem>>) attributes {dimension_semantics = [], scalar_prefetch = 0 : i64, scratch_operands = 0 : i64, tpu.core_type = #tpu.core_type<tc>} {
    %get3A = arith.constant 0 : index
    %get3A_0 = arith.constant 0 : index
    %get3A_1 = vector.load %arg0[%get3A, %get3A_0] : memref<10000x128xf32, #tpu.memory_space<vmem>>, vector<10000x128xf32>
    %get3A_2 = arith.constant 0 : index
    %get3A_3 = arith.constant 0 : index
    %get3A_4 = vector.load %arg1[%get3A_2, %get3A_3] : memref<128x128xf32, #tpu.memory_space<vmem>>, vector<128x128xf32>
    %dot_general3A = arith.constant dense<0.000000e+00> : vector<10000x128xf32>
    %dot_general3A_5 = tpu.matmul %get3A_1, %get3A_4, %dot_general3A {dimension_numbers = #tpu.dot_dimension_numbers<[1], [0], [0], [1], [0, 0, 1, 1], [], []>, transpose_lhs_hint = false} : vector<10000x128xf32>, vector<128x128xf32>, vector<10000x128xf32> -> vector<10000x128xf32>
    %get3A_6 = arith.constant 0 : index
    %get3A_7 = arith.constant 0 : index
    %get3A_8 = vector.load %arg2[%get3A_6, %get3A_7] : memref<10000x1xf32, #tpu.memory_space<vmem>>, vector<10000x1xf32>
    %mul3A = vector.broadcast %get3A_8 : vector<10000x1xf32> to vector<10000x128xf32>
    %mul3A_9 = arith.mulf %dot_general3A_5, %mul3A : vector<10000x128xf32>
    %swap3A = arith.constant 0 : index
    %swap3A_10 = arith.constant 0 : index
    %swap3A_11 = vector.load %arg3[%swap3A, %swap3A_10] : memref<10240x128xf32, #tpu.memory_space<vmem>>, vector<10000x128xf32>
    tpu.vector_store %arg3[%swap3A, %swap3A_10], %mul3A_9 {strides = array<i32>} : memref<10240x128xf32, #tpu.memory_space<vmem>>, vector<10000x128xf32>,
    %broadcast_in_dim3A = arith.constant 0.000000e+00 : f32
    %broadcast_in_dim3A_12 = vector.broadcast %broadcast_in_dim3A : f32 to vector<240x128xf32>
    %swap3A_13 = arith.constant 10000 : index
    %swap3A_14 = arith.constant 0 : index
    %swap3A_15 = vector.load %arg3[%swap3A_13, %swap3A_14] : memref<10240x128xf32, #tpu.memory_space<vmem>>, vector<240x128xf32>
    tpu.vector_store %arg3[%swap3A_13, %swap3A_14], %broadcast_in_dim3A_12 {strides = array<i32>} : memref<10240x128xf32, #tpu.memory_space<vmem>>, vector<240x128xf32>,
    return
  }
}

module attributes {stable_mosaic.version = 14 : i64} {
  func.func @body(%arg0: memref<2x2560x128xf32, #tpu.memory_space<vmem>>, %arg1: memref<10000x1xf32, #tpu.memory_space<vmem>>) attributes {dimension_semantics = [], scalar_prefetch = 0 : i64, scratch_operands = 0 : i64, tpu.core_type = #tpu.core_type<tc>} {
    %get3A = arith.constant 0 : index
    %get3A_0 = arith.constant 0 : index
    %get3A_1 = arith.constant 0 : index
    %get3A_2 = vector.load %arg0[%get3A, %get3A_0, %get3A_1] : memref<2x2560x128xf32, #tpu.memory_space<vmem>>, vector<1x2560x1xf32>
    %get3A_3 = vector.shape_cast %get3A_2 : vector<1x2560x1xf32> to vector<2560x1xf32>
    %get3A_4 = arith.constant 1 : index
    %get3A_5 = arith.constant 0 : index
    %get3A_6 = arith.constant 0 : index
    %get3A_7 = vector.load %arg0[%get3A_4, %get3A_5, %get3A_6] : memref<2x2560x128xf32, #tpu.memory_space<vmem>>, vector<1x2560x1xf32>
    %get3A_8 = vector.shape_cast %get3A_7 : vector<1x2560x1xf32> to vector<2560x1xf32>
    %add3A = arith.addf %get3A_3, %get3A_8 : vector<2560x1xf32>
    %get3A_9 = arith.constant 0 : index
    %get3A_10 = arith.constant 0 : index
    %get3A_11 = arith.constant 32 : index
    %get3A_12 = vector.load %arg0[%get3A_9, %get3A_10, %get3A_11] : memref<2x2560x128xf32, #tpu.memory_space<vmem>>, vector<1x2560x1xf32>
    %get3A_13 = vector.shape_cast %get3A_12 : vector<1x2560x1xf32> to vector<2560x1xf32>
    %get3A_14 = arith.constant 1 : index
    %get3A_15 = arith.constant 0 : index
    %get3A_16 = arith.constant 32 : index
    %get3A_17 = vector.load %arg0[%get3A_14, %get3A_15, %get3A_16] : memref<2x2560x128xf32, #tpu.memory_space<vmem>>, vector<1x2560x1xf32>
    %get3A_18 = vector.shape_cast %get3A_17 : vector<1x2560x1xf32> to vector<2560x1xf32>
    %add3A_19 = arith.addf %get3A_13, %get3A_18 : vector<2560x1xf32>
    %get3A_20 = arith.constant 0 : index
    %get3A_21 = arith.constant 0 : index
    %get3A_22 = arith.constant 64 : index
    %get3A_23 = vector.load %arg0[%get3A_20, %get3A_21, %get3A_22] : memref<2x2560x128xf32, #tpu.memory_space<vmem>>, vector<1x2560x1xf32>
    %get3A_24 = vector.shape_cast %get3A_23 : vector<1x2560x1xf32> to vector<2560x1xf32>
    %get3A_25 = arith.constant 1 : index
    %get3A_26 = arith.constant 0 : index
    %get3A_27 = arith.constant 64 : index
    %get3A_28 = vector.load %arg0[%get3A_25, %get3A_26, %get3A_27] : memref<2x2560x128xf32, #tpu.memory_space<vmem>>, vector<1x2560x1xf32>
    %get3A_29 = vector.shape_cast %get3A_28 : vector<1x2560x1xf32> to vector<2560x1xf32>
    %add3A_30 = arith.addf %get3A_24, %get3A_29 : vector<2560x1xf32>
    %get3A_31 = arith.constant 0 : index
    %get3A_32 = arith.constant 0 : index
    %get3A_33 = arith.constant 96 : index
    %get3A_34 = vector.load %arg0[%get3A_31, %get3A_32, %get3A_33] : memref<2x2560x128xf32, #tpu.memory_space<vmem>>, vector<1x2560x1xf32>
    %get3A_35 = vector.shape_cast %get3A_34 : vector<1x2560x1xf32> to vector<2560x1xf32>
    %get3A_36 = arith.constant 1 : index
    %get3A_37 = arith.constant 0 : index
    %get3A_38 = arith.constant 96 : index
    %get3A_39 = vector.load %arg0[%get3A_36, %get3A_37, %get3A_38] : memref<2x2560x128xf32, #tpu.memory_space<vmem>>, vector<1x2560x1xf32>
    %get3A_40 = vector.shape_cast %get3A_39 : vector<1x2560x1xf32> to vector<2560x1xf32>
    %add3A_41 = arith.addf %get3A_35, %get3A_40 : vector<2560x1xf32>
    %concatenate3A = tpu.concatenate %add3A, %add3A_19, %add3A_30, %add3A_41 in 0 : vector<2560x1xf32>, vector<2560x1xf32>, vector<2560x1xf32>, vector<2560x1xf32> -> vector<10240x1xf32>
    %slice3A = vector.extract_strided_slice %concatenate3A {offsets = [0, 0], sizes = [10000, 1], strides = [1, 1]} : vector<10240x1xf32> to vector<10000x1xf32>
    %add3A_42 = arith.constant 1.000000e+00 : f32
    %add3A_43 = vector.broadcast %add3A_42 : f32 to vector<10000x1xf32>
    %add3A_44 = arith.addf %slice3A, %add3A_43 : vector<10000x1xf32>
    %rsqrt3A = math.rsqrt %add3A_44 : vector<10000x1xf32>
    %swap3A = arith.constant 0 : index
    %swap3A_45 = arith.constant 0 : index
    %swap3A_46 = vector.load %arg1[%swap3A, %swap3A_45] : memref<10000x1xf32, #tpu.memory_space<vmem>>, vector<10000x1xf32>
    tpu.vector_store %arg1[%swap3A, %swap3A_45], %rsqrt3A {strides = array<i32>} : memref<10000x1xf32, #tpu.memory_space<vmem>>, vector<10000x1xf32>,
    return
  }
}

module attributes {stable_mosaic.version = 14 : i64} {
  func.func @body(%arg0: memref<2x2560x128xf32, #tpu.memory_space<vmem>>, %arg1: memref<2x2560x128xf32, #tpu.memory_space<vmem>>, %arg2: memref<10240x128xf32, #tpu.memory_space<vmem>>, %arg3: memref<10000x1xf32, #tpu.memory_space<vmem>>, %arg4: memref<1x128xf32, #tpu.memory_space<vmem>>, %arg5: memref<1x128xf32, #tpu.memory_space<vmem>>, %arg6: memref<1x128xf32, #tpu.memory_space<vmem>>, %arg7: memref<10000x128xf32, #tpu.memory_space<vmem>>) attributes {dimension_semantics = [], scalar_prefetch = 0 : i64, scratch_operands = 0 : i64, tpu.core_type = #tpu.core_type<tc>} {
    %get3A = arith.constant 0 : index
    %get3A_0 = arith.constant 0 : index
    %get3A_1 = vector.load %arg3[%get3A, %get3A_0] : memref<10000x1xf32, #tpu.memory_space<vmem>>, vector<10000x1xf32>
    %get3A_2 = arith.constant 0 : index
    %get3A_3 = arith.constant 0 : index
    %get3A_4 = arith.constant 0 : index
    %get3A_5 = vector.load %arg0[%get3A_2, %get3A_3, %get3A_4] : memref<2x2560x128xf32, #tpu.memory_space<vmem>>, vector<1x2560x128xf32>
    %get3A_6 = vector.shape_cast %get3A_5 : vector<1x2560x128xf32> to vector<2560x128xf32>
    %get3A_7 = arith.constant 1 : index
    %get3A_8 = arith.constant 0 : index
    %get3A_9 = arith.constant 0 : index
    %get3A_10 = vector.load %arg0[%get3A_7, %get3A_8, %get3A_9] : memref<2x2560x128xf32, #tpu.memory_space<vmem>>, vector<1x2560x128xf32>
    %get3A_11 = vector.shape_cast %get3A_10 : vector<1x2560x128xf32> to vector<2560x128xf32>
    %get3A_12 = arith.constant 0 : index
    %get3A_13 = arith.constant 0 : index
    %get3A_14 = arith.constant 0 : index
    %get3A_15 = vector.load %arg1[%get3A_12, %get3A_13, %get3A_14] : memref<2x2560x128xf32, #tpu.memory_space<vmem>>, vector<1x2560x128xf32>
    %get3A_16 = vector.shape_cast %get3A_15 : vector<1x2560x128xf32> to vector<2560x128xf32>
    %get3A_17 = arith.constant 1 : index
    %get3A_18 = arith.constant 0 : index
    %get3A_19 = arith.constant 0 : index
    %get3A_20 = vector.load %arg1[%get3A_17, %get3A_18, %get3A_19] : memref<2x2560x128xf32, #tpu.memory_space<vmem>>, vector<1x2320x128xf32>
    %get3A_21 = vector.shape_cast %get3A_20 : vector<1x2320x128xf32> to vector<2320x128xf32>
    %concatenate3A = tpu.concatenate %get3A_6, %get3A_11, %get3A_16, %get3A_21 in 0 : vector<2560x128xf32>, vector<2560x128xf32>, vector<2560x128xf32>, vector<2320x128xf32> -> vector<10000x128xf32>
    %get3A_22 = arith.constant 0 : index
    %get3A_23 = arith.constant 0 : index
    %get3A_24 = vector.load %arg2[%get3A_22, %get3A_23] : memref<10240x128xf32, #tpu.memory_space<vmem>>, vector<10000x128xf32>
    %add3A = arith.addf %concatenate3A, %get3A_24 : vector<10000x128xf32>
    %mul3A = vector.broadcast %get3A_1 : vector<10000x1xf32> to vector<10000x128xf32>
    %mul3A_25 = arith.mulf %mul3A, %add3A : vector<10000x128xf32>
    %get3A_26 = arith.constant 0 : index
    %get3A_27 = arith.constant 0 : index
    %get3A_28 = vector.load %arg4[%get3A_26, %get3A_27] : memref<1x128xf32, #tpu.memory_space<vmem>>, vector<1x128xf32>
    %add3A_29 = vector.broadcast %get3A_28 : vector<1x128xf32> to vector<10000x128xf32>
    %add3A_30 = arith.addf %mul3A_25, %add3A_29 : vector<10000x128xf32>
    %reduce_sum3A = arith.constant dense<0.000000e+00> : vector<128xf32>
    %reduce_sum3A_31 = vector.multi_reduction <add>, %add3A_30, %reduce_sum3A [0] : vector<10000x128xf32> to vector<128xf32>
    %broadcast_in_dim3A = vector.shape_cast %reduce_sum3A_31 : vector<128xf32> to vector<1x128xf32>
    %div3A = arith.constant 1.000000e+04 : f32
    %div3A_32 = vector.broadcast %div3A : f32 to vector<1x128xf32>
    %div3A_33 = arith.divf %broadcast_in_dim3A, %div3A_32 : vector<1x128xf32>
    %sub3A = vector.broadcast %div3A_33 : vector<1x128xf32> to vector<10000x128xf32>
    %sub3A_34 = arith.subf %add3A_30, %sub3A : vector<10000x128xf32>
    %mul3A_35 = arith.mulf %sub3A_34, %sub3A_34 : vector<10000x128xf32>
    %reduce_sum3A_36 = arith.constant dense<0.000000e+00> : vector<128xf32>
    %reduce_sum3A_37 = vector.multi_reduction <add>, %mul3A_35, %reduce_sum3A_36 [0] : vector<10000x128xf32> to vector<128xf32>
    %broadcast_in_dim3A_38 = vector.shape_cast %reduce_sum3A_37 : vector<128xf32> to vector<1x128xf32>
    %div3A_39 = arith.constant 1.000000e+04 : f32
    %div3A_40 = vector.broadcast %div3A_39 : f32 to vector<1x128xf32>
    %div3A_41 = arith.divf %broadcast_in_dim3A_38, %div3A_40 : vector<1x128xf32>
    %get3A_42 = arith.constant 0 : index
    %get3A_43 = arith.constant 0 : index
    %get3A_44 = vector.load %arg5[%get3A_42, %get3A_43] : memref<1x128xf32, #tpu.memory_space<vmem>>, vector<1x128xf32>
    %add3A_45 = arith.constant 9.99999974E-6 : f32
    %add3A_46 = vector.broadcast %add3A_45 : f32 to vector<1x128xf32>
    %add3A_47 = arith.addf %div3A_41, %add3A_46 : vector<1x128xf32>
    %sqrt3A = math.sqrt %add3A_47 : vector<1x128xf32>
    %div3A_48 = vector.broadcast %sqrt3A : vector<1x128xf32> to vector<10000x128xf32>
    %div3A_49 = arith.divf %sub3A_34, %div3A_48 : vector<10000x128xf32>
    %mul3A_50 = vector.broadcast %get3A_44 : vector<1x128xf32> to vector<10000x128xf32>
    %mul3A_51 = arith.mulf %mul3A_50, %div3A_49 : vector<10000x128xf32>
    %get3A_52 = arith.constant 0 : index
    %get3A_53 = arith.constant 0 : index
    %get3A_54 = vector.load %arg6[%get3A_52, %get3A_53] : memref<1x128xf32, #tpu.memory_space<vmem>>, vector<1x128xf32>
    %add3A_55 = vector.broadcast %get3A_54 : vector<1x128xf32> to vector<10000x128xf32>
    %add3A_56 = arith.addf %mul3A_51, %add3A_55 : vector<10000x128xf32>
    %gt3A = arith.constant 0.000000e+00 : f32
    %gt3A_57 = vector.broadcast %gt3A : f32 to vector<10000x128xf32>
    %gt3A_58 = arith.cmpf ogt, %add3A_56, %gt3A_57 : vector<10000x128xf32>
    %exp3A = math.exp %add3A_56 : vector<10000x128xf32>
    %sub3A_59 = arith.constant 1.000000e+00 : f32
    %sub3A_60 = vector.broadcast %sub3A_59 : f32 to vector<10000x128xf32>
    %sub3A_61 = arith.subf %exp3A, %sub3A_60 : vector<10000x128xf32>
    %select_n3A = arith.select %gt3A_58, %add3A_56, %sub3A_61 : vector<10000x128xi1>, vector<10000x128xf32>
    %swap3A = arith.constant 0 : index
    %swap3A_62 = arith.constant 0 : index
    %swap3A_63 = vector.load %arg7[%swap3A, %swap3A_62] : memref<10000x128xf32, #tpu.memory_space<vmem>>, vector<10000x128xf32>
    tpu.vector_store %arg7[%swap3A, %swap3A_62], %select_n3A {strides = array<i32>} : memref<10000x128xf32, #tpu.memory_space<vmem>>, vector<10000x128xf32>,
    return
  }
}

</mosaic_0001>

<sc_bundles>
// kernel: closed_call.24.cloned.1.call-start
scs
__scs_entry_jumppad:
0x0: {  	(pc) =	sbr.rel $0x88, $3  }
0x1: {  	(tag) =	ssettag $0x0;
	lr =	simm.s32 $0x1  }
0x2: {  	[smem:$0x3F97] =	sst lr;
	_ =	strace $0xD0000000  }
0x3: {  	_ = 	snop  }
0x4: {  	_ = 	snop  }
0x5: {  	_ = 	snop  }
0x6: {  	_ = 	snop  }
0x7: {  	_ = 	snop  }
__scs_overlays_trampoline_lowered:
0x8: {  	[smem:$0x3FA6] =	sst s0  }
0x9: {  	[smem:$0x3FA7] =	sst s1  }
0xa: {  	[smem:$0x3FA8] =	sst s2  }
0xb: {  	[smem:$0x3FA9] =	sst s3  }
0xc: {  	[smem:$0x3FAA] =	sst s4  }
0xd: {  	[smem:$0x3FAB] =	sst s5  }
0xe: {  	[smem:$0x3FAC] =	sst s6  }
0xf: {  	[smem:$0x3FAD] =	sst s7  }
0x10: {  	[smem:$0x3FAE] =	sst s8  }
0x11: {  	[smem:$0x3FAF] =	sst s9;
	s0 =	simm.s32 @!p0 $0x0  }
0x12: {  	s1 =	sld [smem:$0x3F95];
	s0 =	simm.s32 @p0 $0x1  }
0x13: {  	[smem:$0x3FB0] =	sst s0;
	s0 =	simm.s32 @!p1 $0x0  }
0x14: {  	s2 =	sld [smem:$0x3F94];
	s0 =	simm.s32 @p1 $0x1  }
0x15: {  	[smem:$0x3FB1] =	sst s0;
	s0 =	simm.s32 @!p2 $0x0  }
0x16: {  	s3 =	sld [smem:$0x3FDB];
	s0 =	simm.s32 @p2 $0x1  }
0x17: {  	s4 =	simm.s32 $0x1BF5;
	[smem:$0x3FB3] =	sst s0  }
0x18: {  	s0 =	sld [smem:$0x3F96];
	_ =	swait.ge [sflag:s4], $0x0  }
0x19: {  	s7 =	sld [smem:$0x3F97]  }
0x1a: {  	s8 =	sadd.s32 $0xFFFFE003, lr  }
0x1b: {  	s9 =	sadd.s32 $0xFFFFFEF7, lr;
	s5 =	simm.s32 $0xFFFFFFFF;
	p2 =	slt.u32 s8, $0xFFFFF086  }
0x1c: {  	p1 =	slt.u32 s9, $0xF7A;
	s5 =	simm.s32 @!p2 $0x0  }
0x1d: {  	s5 =	simm.s32 @p1 $0x1;
	p0 =	seq.s32 s7, s2  }
0x1e: {  	s7 =	smul.u32 @!p0 $0xF7A, s2;
	p2 =	seq.s32 @!p0 s5, $0x0  }
0x1f: {  	s9 =	smul.u32 $0xF7A, s1;
	s8 =	simm.s32 @!p0 $0x1BF5;
	p2 =	por !p2, p0  }
0x20: {  	[sflag:s8] =	ssyncset.s32 @!p0 $0xFFFFF086;
	s6 =	sadd.s32 @!p0 s3, s7;
	s7 =	simm.s32 @!p0 $0x108  }
0x21: {  	s3 =	sadd.s32 s3, s9;
	s6 =	sadd.s32 @!p0 $0x88, s6;
	s7 =	simm.s32 @p2 $0x1082  }
0x22: {  	[simem:s7], [sflag:s8] =	dma.local @!p0 [hbm:s6], $0xF7A  }
0x23: {  	s9 =	sor.u32 $0xD0000000, s2;
	s6 =	simm.s32 $0x108;
	_ =	swait.ge @!p0 [sflag:s8], $0x0  }
0x24: {  	s3 =	sadd.s32 $0x88, s3;
	s6 =	simm.s32 @!p1 $0x1082;
	[sflag:s4] =	ssyncset.s32 $0xFFFFF086  }
0x25: {  	[simem:s6], [sflag:s4] =	dma.local [hbm:s3], $0xF7A  }
0x26: {  	[smem:$0x3F97] =	sst s1;
	(tag) =	ssettag s2;
	_ =	strace s9  }
0x27: {  	s1 =	sld [smem:$0x3FA7]  }
0x28: {  	s2 =	sld [smem:$0x3FA8]  }
0x29: {  	s4 =	sld [smem:$0x3FAA]  }
0x2a: {  	p0 =	seq.s32 s5, $0x0;
	s5 =	sld [smem:$0x3FAB]  }
0x2b: {  	s6 =	sld [smem:$0x3FAC]  }
0x2c: {  	s7 =	sld [smem:$0x3FAD]  }
0x2d: {  	s3 =	simm.s32 $0x108;
	s8 =	sld [smem:$0x3FAE]  }
0x2e: {  	s3 =	simm.s32 @!p0 $0x1082;
	s9 =	sld [smem:$0x3FAF]  }
0x2f: {  	lr =	sadd.s32 s0, s3;
	s0 =	sld [smem:$0x3FA6]  }
0x30: {  	s3 =	sld [smem:$0x3FA9]  }
0x31: {  	[smem:$0x3FB2] =	sst s10  }
0x32: {  	s10 =	sld [smem:$0x3FB0];
	_ =	sdelay $0x3  }
0x33: {  	p0 =	seq.s32 s10, $0x1;
	s10 =	sld [smem:$0x3FB2];
	_ =	sdelay $0x3  }
0x34: {  	[smem:$0x3FB2] =	sst s10  }
0x35: {  	s10 =	sld [smem:$0x3FB1];
	_ =	sdelay $0x3  }
0x36: {  	p1 =	seq.s32 s10, $0x1;
	s10 =	sld [smem:$0x3FB2];
	_ =	sdelay $0x3  }
0x37: {  	[smem:$0x3FB2] =	sst s10  }
0x38: {  	s10 =	sld [smem:$0x3FB3]  }
0x39: {  	_ = 	snop;
	(pc) =	sbr.ind lr, $3  }
0x3a: {  	_ = 	snop  }
0x3b: {  	_ = 	snop  }
0x3c: {  	p2 =	seq.s32 s10, $0x1;
	s10 =	sld [smem:$0x3FB2]  }
0x3d: {  	_ =	shalt  }
0x3e: {  	_ =	shalt  }
0x3f: {  	_ =	shalt  }
0x40: {  	_ =	shalt  }
0x41: {  	_ =	shalt  }
0x42: {  	_ =	shalt  }
0x43: {  	_ =	shalt  }
0x44: {  	_ =	shalt  }
0x45: {  	_ =	shalt  }
0x46: {  	_ =	shalt  }
0x47: {  	_ =	shalt  }
0x48: {  	_ =	shalt  }
0x49: {  	_ =	shalt  }
0x4a: {  	_ =	shalt  }
0x4b: {  	_ =	shalt  }
0x4c: {  	_ =	shalt  }
0x4d: {  	_ =	shalt  }
0x4e: {  	_ =	shalt  }
0x4f: {  	_ =	shalt  }
0x50: {  	_ =	shalt  }
0x51: {  	_ =	shalt  }
0x52: {  	_ =	shalt  }
0x53: {  	_ =	shalt  }
0x54: {  	_ =	shalt  }
0x55: {  	_ =	shalt  }
0x56: {  	_ =	shalt  }
0x57: {  	_ =	shalt  }
0x58: {  	_ =	shalt  }
0x59: {  	_ =	shalt  }
0x5a: {  	_ =	shalt  }
0x5b: {  	_ =	shalt  }
0x5c: {  	_ =	shalt  }
0x5d: {  	_ =	shalt  }
0x5e: {  	_ =	shalt  }
0x5f: {  	_ =	shalt  }
0x60: {  	_ =	shalt  }
0x61: {  	_ =	shalt  }
0x62: {  	_ =	shalt  }
0x63: {  	_ =	shalt  }
0x64: {  	_ =	shalt  }
0x65: {  	_ =	shalt  }
0x66: {  	_ =	shalt  }
0x67: {  	_ =	shalt  }
0x68: {  	_ =	shalt  }
0x69: {  	_ =	shalt  }
0x6a: {  	_ =	shalt  }
0x6b: {  	_ =	shalt  }
0x6c: {  	_ =	shalt  }
0x6d: {  	_ =	shalt  }
0x6e: {  	_ =	shalt  }
0x6f: {  	_ =	shalt  }
0x70: {  	_ =	shalt  }
0x71: {  	_ =	shalt  }
0x72: {  	_ =	shalt  }
0x73: {  	_ =	shalt  }
0x74: {  	_ =	shalt  }
0x75: {  	_ =	shalt  }
0x76: {  	_ =	shalt  }
0x77: {  	_ =	shalt  }
0x78: {  	_ =	shalt  }
0x79: {  	_ =	shalt  }
0x7a: {  	_ =	shalt  }
0x7b: {  	_ =	shalt  }
0x7c: {  	_ =	shalt  }
0x7d: {  	_ =	shalt  }
0x7e: {  	_ =	shalt  }
0x7f: {  	_ =	shalt  }
0x80: {  	_ =	shalt  }
0x81: {  	_ =	shalt  }
0x82: {  	_ =	shalt  }
0x83: {  	_ =	shalt  }
0x84: {  	_ =	shalt  }
0x85: {  	_ =	shalt  }
0x86: {  	_ =	shalt  }
0x87: {  	_ =	shalt  }
.Lfunc_end0:
.L_simem_size_0:
called_computation_lowered:
.L_overlay_start_0:
0x88: {  	s2 =	sld [smem:$0x3FD9]  }
0x89: {  	s3 =	sld [smem:$0x3FFE];
	_ =	sdelay $0x1  }
0x8a: {  	s1 =	srdreg.scid  }
0x8b: {  	s0 =	sand.u32 $0x1, s1  }
0x8c: {  	s14 =	sshll.u32 s0, $0xA;
	s2 =	sadd.s32 s3, s2  }
0x8d: {  	s2 =	sadd.s32 s2, s14  }
0x8e: {  	[smem:$0x3FBE] =	sst s2  }
0x8f: {  	_ = 	snop  }
0x90: {  	s2 =	sld [smem:$0x3FD0];
	_ =	sdelay $0x2  }
0x91: {  	s15 =	simm.s32 $0xA;
	s4 =	simm.s32 $0x10  }
0x92: {  	[smem:s4], [sflag:s15] =	dma.local [hbm:s2], $0x1  }
0x93: {  	_ =	swait.eq [sflag:s15], $0x1  }
0x94: {  	[sflag:s15] =	ssyncset.done $0x0  }
0x95: {  	s16 =	sld [smem:$0x10];
	[sflag:s15] =	ssyncadd.s32 $0xFFFFFFFF  }
0x96: {  	s17 =	sld [smem:$0x12];
	(tm) =	ssettm $0x1  }
0x97: {  	s18 =	sld [smem:$0x3FFB];
	_ =	sdelay $0x3  }
0x98: {  	_ =	strace s18  }
0x99: {  	s4 =	sld [smem:$0x3FFC];
	_ =	sdelay $0x3  }
0x9a: {  	_ =	strace s4  }
0x9b: {  	s4 =	sld [smem:$0x3FFD];
	_ =	sdelay $0x3  }
0x9c: {  	_ =	strace s4  }
0x9d: {  	_ =	strace $0x8FFFFFFF  }
0x9e: {  	s19 =	sld [smem:$0x3FDB];
	_ =	sdelay $0x1  }
0x9f: {  	s5 =	simm.s32 $_scs_section_size  }
0xa0: {  	s6 =	simm.s32 $_size__tile_overlayer_lowered;
	s7 =	simm.s32 $_tile_overlayer_lowered  }
0xa1: {  	s22 =	simm.s32 $0x1BFF;
	s21 =	sshll.u32 s7, $0x1;
	s4 =	sadd.s32 s5, s19  }
0xa2: {  	s8 =	simm.s32 $0x0;
	s20 =	sshll.u32 s6, $0x1;
	s6 =	sadd.s32 s21, s4  }
0xa3: {  	[timem:s8], [sflag:s22] =	dma.local [hbm:s6], s20  }
0xa4: {  	_ =	swait.ge [sflag:s22], s20  }
0xa5: {  	s5 =	ssub.s32 $0x0, s20;
	[sflag:s22] =	ssyncset.done $0x0  }
0xa6: {  	[sflag:s22] =	ssyncadd.s32 s5;
	_ =	sdelay $0x1  }
0xa7: {  	s23 =	simm.s32 $0x1B8B  }
0xa8: {  	_ =	swait.ge [sflag:s23], $0x1  }
0xa9: {  	[sflag:s23] =	ssyncset.done $0x0  }
0xaa: {  	s25 =	simm.s32 $0x1B8E;
	s24 =	sld [smem:$0x3FFE];
	[sflag:s23] =	ssyncadd.s32 $0xFFFFFFFF  }
0xab: {  	s26 =	simm.s32 $execute0_lowered;
	[smem:$0x3FD2] =	sst s25  }
0xac: {  	s6 =	sshll.u32 s26, $0x1;
	_ =	strace $0x80000046;
	[dreg:$0x1] =	wrdreg $0xFFFFFFFF  }
0xad: {  	s28 =	simm.s32 $_size_execute0_lowered;
	s4 =	sadd.s32 s4, s6;
	[dreg:$0x0] =	wrdreg $0x0  }
0xae: {  	s6 =	sshll.u32 s28, $0x1;
	[dreg:$0x2] =	wrdreg s4  }
0xaf: {  	[dreg:$0x3] =	wrdreg s6  }
0xb0: {  	[dreg:$0x4] =	wrdreg $0xC0  }
0xb1: {  	_ =	task [dreg:s8], $0x5FFFF  }
0xb2: {  	[dreg:$0x1] =	wrdreg $0xFFFFFFFF  }
0xb3: {  	[dreg:$0x0] =	wrdreg $0x60  }
0xb4: {  	[dreg:$0x2] =	wrdreg s24  }
0xb5: {  	[dreg:$0x3] =	wrdreg s16  }
0xb6: {  	[dreg:$0x4] =	wrdreg s17  }
0xb7: {  	[dreg:$0x5] =	wrdreg $0x1A8000  }
0xb8: {  	[dreg:$0x6] =	wrdreg $0x9  }
0xb9: {  	_ =	task.clear_ibuf [dreg:s8], $0x7FFFF;
	_ =	strace $0x90000046  }
0xba: {  	s29 =	simm.s32 $0x9;
	_ =	strace $0x80000048  }
0xbb: {  	_ =	swait.ge [sflag:s29], $0x1  }
0xbc: {  	[sflag:s29] =	ssyncadd.s32 $0xFFFFFFFF  }
0xbd: {  	_ =	strace $0x90000048  }
0xbe: {  	_ =	sfence  }
0xbf: {  	s30 =	sld [smem:$0x0];
	_ =	sdelay $0x2  }
0xc0: {  	s31 =	sshll.u32 s1, $0xD;
	s1 =	sshrl.u32 s1, $0x2  }
0xc1: {  	s3 =	sand.u32 $0x4000, s31;
	s1 =	sadd.s32 s1, s30  }
0xc2: {  	s0 =	sor.u32 s3, s0;
	s1 =	sshll.u32 s1, $0x11  }
0xc3: {  	s0 =	sor.u32 s1, s0  }
0xc4: {  	s0 =	sadd.s32 $0x8F2B, s0  }
0xc5: {  	[sflag:s0] =	ssyncadd.remote.s32 $0x1  }
0xc6: {  	_ =	sfence.sel $0xFFFF  }
0xc7: {  	[dreg:$0x0] =	wrdreg $0xFFFFFFFF;
	(pc) =	sbr.abs _section_cstart, $3  }
0xc8: {  	[dreg:$0x1] =	wrdreg $0xFFFFFFFF  }
0xc9: {  	_ =	task.clear_ibuf [dreg:s8], $0x2FFFF;
	_ =	strace $0x9FFFFFFF  }
0xca: {  	(tm) =	ssettm $0x7FFFFFFF  }
0xcb: {  	_ =	shalt  }
tec
execute0_lowered:
.L_overlay_start_1:
0x0: {  	(tag) =	ssettag $0x1  }
0x1: {  	s0 =	rddreg [dreg:$0x0]  }
0x2: {  	s6 =	rddreg [dreg:$0x1]  }
0x3: {  	s7 =	rddreg [dreg:$0x2]  }
0x4: {  	s1 =	rddreg [dreg:$0x3];
	s2 =	srdreg.scid  }
0x5: {  	s3 =	simm.s32 $0x0;
	s19 =	simm.s32 $0x1A000;
	s20 =	simm.s32 $0x2  }
0x6: {  	s22 =	simm.s32 $0x80;
	s23 =	simm.s32 $0xA000;
	s24 =	simm.s32 $0xE000  }
0x7: {  	s25 =	simm.s32 $0x12000;
	s28 =	simm.s32 $0x1;
	s4 =	sand.u32 $0x1, s2  }
0x8: {  	s29 =	simm.s32 $0x0;
	s2 =	stileid.u32;
	s5 =	smul.u32 $0x50000, s4  }
0x9: {  	[smem:$0x7FF] =	sst s3;
	s8 =	smul.u32 $0x5000, s2;
	s26 =	ssub.s32 $0x2, s4  }
0xa: {  	_ =	strace $0x80000047;
	s9 =	smul.u32 $0x14000, s2;
	s30 =	sshrl.u32 s26, $0x1  }
0xb: {  	s4 =	sadd.s32 $0x18FC00, s0;
	s5 =	sadd.s32 s8, s5;
	s11 =	ssub.s32 s26, s30  }
0xc: {  	s31 =	sshrl.u32 s9, $0x2;
	s26 =	simm.s32 $0x16000;
	s10 =	sshrl.u32 s5, $0x3  }
0xd: {  	s5 =	sadd.s32 s31, s1;
	s9 =	smax.u32 s11, $0x1;
	s0 =	sadd.s32 s10, s0  }
0xe: {  	s6 =	sadd.s32 s6, s10;
	s7 =	sadd.s32 s7, s10;
	s10 =	sadd.s32 $0x800, s5  }
0xf: {  	s11 =	sadd.s32 $0x1000, s5;
	s12 =	sadd.s32 $0x1800, s5;
	s13 =	sadd.s32 $0x2000, s5  }
0x10: {  	s14 =	sadd.s32 $0x2800, s5;
	s15 =	sadd.s32 $0x3000, s5;
	s16 =	sadd.s32 $0x3800, s5  }
0x11: {  	v0 =	vimm.f32 $0.0e+00;
	s17 =	sadd.s32 $0x4000, s5;
	s18 =	sadd.s32 $0x4800, s5;
	s8 =	sadd.s32 $0x1B7C00, s0  }
.LBB2_1:
0x12: {  	[tilespmem:$0x1A000] =	vst v0  }
0x13: {  	[tilespmem:$0x1A010] =	vst v0  }
0x14: {  	[tilespmem:$0x1A020] =	vst v0  }
0x15: {  	[tilespmem:$0x1A030] =	vst v0  }
0x16: {  	[tilespmem:$0x1A040] =	vst v0  }
0x17: {  	[tilespmem:$0x1A050] =	vst v0  }
0x18: {  	[tilespmem:$0x1A060] =	vst v0  }
0x19: {  	[tilespmem:$0x1A070] =	vst v0  }
0x1a: {  	[tilespmem:$0x1A080] =	vst v0  }
0x1b: {  	[tilespmem:$0x1A090] =	vst v0  }
0x1c: {  	[tilespmem:$0x1A0A0] =	vst v0  }
0x1d: {  	[tilespmem:$0x1A0B0] =	vst v0  }
0x1e: {  	[tilespmem:$0x1A0C0] =	vst v0  }
0x1f: {  	[tilespmem:$0x1A0D0] =	vst v0  }
0x20: {  	[tilespmem:$0x1A0E0] =	vst v0  }
0x21: {  	[tilespmem:$0x1A0F0] =	vst v0  }
0x22: {  	[tilespmem:$0x1A100] =	vst v0  }
0x23: {  	[tilespmem:$0x1A110] =	vst v0  }
0x24: {  	[tilespmem:$0x1A120] =	vst v0  }
0x25: {  	[tilespmem:$0x1A130] =	vst v0  }
0x26: {  	[tilespmem:$0x1A140] =	vst v0  }
0x27: {  	[tilespmem:$0x1A150] =	vst v0  }
0x28: {  	[tilespmem:$0x1A160] =	vst v0  }
0x29: {  	[tilespmem:$0x1A170] =	vst v0  }
0x2a: {  	[tilespmem:$0x1A180] =	vst v0  }
0x2b: {  	[tilespmem:$0x1A190] =	vst v0  }
0x2c: {  	[tilespmem:$0x1A1A0] =	vst v0  }
0x2d: {  	[tilespmem:$0x1A1B0] =	vst v0  }
0x2e: {  	[tilespmem:$0x1A1C0] =	vst v0  }
0x2f: {  	[tilespmem:$0x1A1D0] =	vst v0  }
0x30: {  	[tilespmem:$0x1A1E0] =	vst v0  }
0x31: {  	[tilespmem:$0x1A1F0] =	vst v0  }
0x32: {  	[tilespmem:$0x1A200] =	vst v0  }
0x33: {  	[tilespmem:$0x1A210] =	vst v0  }
0x34: {  	[tilespmem:$0x1A220] =	vst v0  }
0x35: {  	[tilespmem:$0x1A230] =	vst v0  }
0x36: {  	[tilespmem:$0x1A240] =	vst v0  }
0x37: {  	[tilespmem:$0x1A250] =	vst v0  }
0x38: {  	[tilespmem:$0x1A260] =	vst v0  }
0x39: {  	[tilespmem:$0x1A270] =	vst v0  }
0x3a: {  	[tilespmem:$0x1A280] =	vst v0  }
0x3b: {  	[tilespmem:$0x1A290] =	vst v0  }
0x3c: {  	[tilespmem:$0x1A2A0] =	vst v0  }
0x3d: {  	[tilespmem:$0x1A2B0] =	vst v0  }
0x3e: {  	[tilespmem:$0x1A2C0] =	vst v0  }
0x3f: {  	[tilespmem:$0x1A2D0] =	vst v0  }
0x40: {  	[tilespmem:$0x1A2E0] =	vst v0  }
0x41: {  	[tilespmem:$0x1A2F0] =	vst v0  }
0x42: {  	[tilespmem:$0x1A300] =	vst v0  }
0x43: {  	[tilespmem:$0x1A310] =	vst v0  }
0x44: {  	[tilespmem:$0x1A320] =	vst v0  }
0x45: {  	[tilespmem:$0x1A330] =	vst v0  }
0x46: {  	[tilespmem:$0x1A340] =	vst v0  }
0x47: {  	[tilespmem:$0x1A350] =	vst v0  }
0x48: {  	[tilespmem:$0x1A360] =	vst v0  }
0x49: {  	[tilespmem:$0x1A370] =	vst v0  }
0x4a: {  	[tilespmem:$0x1A380] =	vst v0  }
0x4b: {  	[tilespmem:$0x1A390] =	vst v0  }
0x4c: {  	[tilespmem:$0x1A3A0] =	vst v0  }
0x4d: {  	[tilespmem:$0x1A3B0] =	vst v0  }
0x4e: {  	[tilespmem:$0x1A3C0] =	vst v0  }
0x4f: {  	[tilespmem:$0x1A3D0] =	vst v0  }
0x50: {  	[tilespmem:$0x1A3E0] =	vst v0  }
0x51: {  	[tilespmem:$0x1A3F0] =	vst v0  }
0x52: {  	[tilespmem:$0x1A400] =	vst v0  }
0x53: {  	[tilespmem:$0x1A410] =	vst v0  }
0x54: {  	[tilespmem:$0x1A420] =	vst v0  }
0x55: {  	[tilespmem:$0x1A430] =	vst v0  }
0x56: {  	[tilespmem:$0x1A440] =	vst v0  }
0x57: {  	[tilespmem:$0x1A450] =	vst v0  }
0x58: {  	[tilespmem:$0x1A460] =	vst v0  }
0x59: {  	[tilespmem:$0x1A470] =	vst v0  }
0x5a: {  	[tilespmem:$0x1A480] =	vst v0  }
0x5b: {  	[tilespmem:$0x1A490] =	vst v0  }
0x5c: {  	[tilespmem:$0x1A4A0] =	vst v0  }
0x5d: {  	[tilespmem:$0x1A4B0] =	vst v0  }
0x5e: {  	[tilespmem:$0x1A4C0] =	vst v0  }
0x5f: {  	[tilespmem:$0x1A4D0] =	vst v0  }
0x60: {  	[tilespmem:$0x1A4E0] =	vst v0  }
0x61: {  	[tilespmem:$0x1A4F0] =	vst v0  }
0x62: {  	[tilespmem:$0x1A500] =	vst v0  }
0x63: {  	[tilespmem:$0x1A510] =	vst v0  }
0x64: {  	[tilespmem:$0x1A520] =	vst v0  }
0x65: {  	[tilespmem:$0x1A530] =	vst v0  }
0x66: {  	[tilespmem:$0x1A540] =	vst v0  }
0x67: {  	[tilespmem:$0x1A550] =	vst v0  }
0x68: {  	[tilespmem:$0x1A560] =	vst v0  }
0x69: {  	[tilespmem:$0x1A570] =	vst v0  }
0x6a: {  	[tilespmem:$0x1A580] =	vst v0  }
0x6b: {  	[tilespmem:$0x1A590] =	vst v0  }
0x6c: {  	[tilespmem:$0x1A5A0] =	vst v0  }
0x6d: {  	[tilespmem:$0x1A5B0] =	vst v0  }
0x6e: {  	[tilespmem:$0x1A5C0] =	vst v0  }
0x6f: {  	[tilespmem:$0x1A5D0] =	vst v0  }
0x70: {  	[tilespmem:$0x1A5E0] =	vst v0  }
0x71: {  	[tilespmem:$0x1A5F0] =	vst v0  }
0x72: {  	[tilespmem:$0x1A600] =	vst v0  }
0x73: {  	[tilespmem:$0x1A610] =	vst v0  }
0x74: {  	[tilespmem:$0x1A620] =	vst v0  }
0x75: {  	[tilespmem:$0x1A630] =	vst v0  }
0x76: {  	[tilespmem:$0x1A640] =	vst v0  }
0x77: {  	[tilespmem:$0x1A650] =	vst v0  }
0x78: {  	[tilespmem:$0x1A660] =	vst v0  }
0x79: {  	[tilespmem:$0x1A670] =	vst v0  }
0x7a: {  	[tilespmem:$0x1A680] =	vst v0  }
0x7b: {  	[tilespmem:$0x1A690] =	vst v0  }
0x7c: {  	[tilespmem:$0x1A6A0] =	vst v0  }
0x7d: {  	[tilespmem:$0x1A6B0] =	vst v0  }
0x7e: {  	[tilespmem:$0x1A6C0] =	vst v0  }
0x7f: {  	[tilespmem:$0x1A6D0] =	vst v0  }
0x80: {  	[tilespmem:$0x1A6E0] =	vst v0  }
0x81: {  	[tilespmem:$0x1A6F0] =	vst v0  }
0x82: {  	[tilespmem:$0x1A700] =	vst v0  }
0x83: {  	[tilespmem:$0x1A710] =	vst v0  }
0x84: {  	[tilespmem:$0x1A720] =	vst v0  }
0x85: {  	[tilespmem:$0x1A730] =	vst v0  }
0x86: {  	[tilespmem:$0x1A740] =	vst v0  }
0x87: {  	[tilespmem:$0x1A750] =	vst v0  }
0x88: {  	[tilespmem:$0x1A760] =	vst v0  }
0x89: {  	[tilespmem:$0x1A770] =	vst v0  }
0x8a: {  	[tilespmem:$0x1A780] =	vst v0  }
0x8b: {  	[tilespmem:$0x1A790] =	vst v0  }
0x8c: {  	[tilespmem:$0x1A7A0] =	vst v0  }
0x8d: {  	[tilespmem:$0x1A7B0] =	vst v0  }
0x8e: {  	[tilespmem:$0x1A7C0] =	vst v0  }
0x8f: {  	[tilespmem:$0x1A7D0] =	vst v0  }
0x90: {  	[tilespmem:$0x1A7E0] =	vst v0  }
0x91: {  	[tilespmem:$0x1A7F0] =	vst v0  }
0x92: {  	[spmem:s5] =	stream.linear.scatter [tilespmem:s19], [sflag:$0x2], $0x800, $0x38;
	[tilespmem:$0x1F800] =	vst v63  }
0x93: {  	_ =	swait.ge [sflag:s20], $0x800  }
0x94: {  	[sflag:s20] =	ssyncset.done $0x0  }
0x95: {  	[sflag:s20] =	ssyncadd.s32 $0xFFFFF800  }
0x96: {  	[spmem:s10] =	stream.linear.scatter [tilespmem:s19], [sflag:$0x2], $0x800, $0x38;
	[tilespmem:$0x1F800] =	vst v63  }
0x97: {  	_ =	swait.ge [sflag:s20], $0x800  }
0x98: {  	[sflag:s20] =	ssyncset.done $0x0  }
0x99: {  	[sflag:s20] =	ssyncadd.s32 $0xFFFFF800  }
0x9a: {  	[spmem:s11] =	stream.linear.scatter [tilespmem:s19], [sflag:$0x2], $0x800, $0x38;
	[tilespmem:$0x1F800] =	vst v63  }
0x9b: {  	_ =	swait.ge [sflag:s20], $0x800  }
0x9c: {  	[sflag:s20] =	ssyncset.done $0x0  }
0x9d: {  	[sflag:s20] =	ssyncadd.s32 $0xFFFFF800  }
0x9e: {  	[spmem:s12] =	stream.linear.scatter [tilespmem:s19], [sflag:$0x2], $0x800, $0x38;
	[tilespmem:$0x1F800] =	vst v63  }
0x9f: {  	_ =	swait.ge [sflag:s20], $0x800  }
0xa0: {  	[sflag:s20] =	ssyncset.done $0x0  }
0xa1: {  	[sflag:s20] =	ssyncadd.s32 $0xFFFFF800  }
0xa2: {  	[spmem:s13] =	stream.linear.scatter [tilespmem:s19], [sflag:$0x2], $0x800, $0x38;
	[tilespmem:$0x1F800] =	vst v63  }
0xa3: {  	_ =	swait.ge [sflag:s20], $0x800  }
0xa4: {  	[sflag:s20] =	ssyncset.done $0x0  }
0xa5: {  	[sflag:s20] =	ssyncadd.s32 $0xFFFFF800  }
0xa6: {  	[spmem:s14] =	stream.linear.scatter [tilespmem:s19], [sflag:$0x2], $0x800, $0x38;
	[tilespmem:$0x1F800] =	vst v63  }
0xa7: {  	_ =	swait.ge [sflag:s20], $0x800  }
0xa8: {  	[sflag:s20] =	ssyncset.done $0x0  }
0xa9: {  	[sflag:s20] =	ssyncadd.s32 $0xFFFFF800  }
0xaa: {  	[spmem:s15] =	stream.linear.scatter [tilespmem:s19], [sflag:$0x2], $0x800, $0x38;
	[tilespmem:$0x1F800] =	vst v63  }
0xab: {  	_ =	swait.ge [sflag:s20], $0x800  }
0xac: {  	[sflag:s20] =	ssyncset.done $0x0  }
0xad: {  	[sflag:s20] =	ssyncadd.s32 $0xFFFFF800  }
0xae: {  	[spmem:s16] =	stream.linear.scatter [tilespmem:s19], [sflag:$0x2], $0x800, $0x38;
	[tilespmem:$0x1F800] =	vst v63  }
0xaf: {  	_ =	swait.ge [sflag:s20], $0x800  }
0xb0: {  	[sflag:s20] =	ssyncset.done $0x0  }
0xb1: {  	[sflag:s20] =	ssyncadd.s32 $0xFFFFF800  }
0xb2: {  	[spmem:s17] =	stream.linear.scatter [tilespmem:s19], [sflag:$0x2], $0x800, $0x38;
	[tilespmem:$0x1F800] =	vst v63  }
0xb3: {  	_ =	swait.ge [sflag:s20], $0x800  }
0xb4: {  	[sflag:s20] =	ssyncset.done $0x0  }
0xb5: {  	[sflag:s20] =	ssyncadd.s32 $0xFFFFF800  }
0xb6: {  	[spmem:s18] =	stream.linear.scatter [tilespmem:s19], [sflag:$0x2], $0x800, $0x38;
	[tilespmem:$0x1F800] =	vst v63  }
0xb7: {  	_ =	swait.ge [sflag:s20], $0x800  }
0xb8: {  	[sflag:s20] =	ssyncset.done $0x0  }
0xb9: {  	[sflag:s20] =	ssyncadd.s32 $0xFFFFF800  }
0xba: {  	[tilespmem:s3], [sflag:$0x2] =	stream.linear.gather [hbm4b:s6+s3], $0x5000, $0x38;
	[tilespmem:$0x1F800] =	vst v63  }
0xbb: {  	_ =	swait.ge [sflag:s20], $0x5000  }
0xbc: {  	[sflag:s20] =	ssyncset.done $0x0  }
0xbd: {  	s0 =	simm.s32 $0x5000;
	[sflag:s20] =	ssyncadd.s32 $0xFFFFB000  }
0xbe: {  	[tilespmem:s0], [sflag:$0x2] =	stream.linear.gather [hbm4b:s7+s3], $0x5000, $0x38;
	[tilespmem:$0x1F800] =	vst v63  }
0xbf: {  	_ =	swait.ge [sflag:s20], $0x5000  }
0xc0: {  	[sflag:s20] =	ssyncset.done $0x0  }
0xc1: {  	[sflag:s20] =	ssyncadd.s32 $0xFFFFB000  }
0xc2: {  	[bflag:$0x0] =	sbarrier.arrive $0xFFFF  }
0xc3: {  	(ifvalue) =	ssetifvalue $0x40000000  }
0xc4: {  	s21 =	simm.s32 $0x0;
	(ifvalue) =	ssetifvalue $0x40000000  }
0xc5: {  	[tilespmem:s23], [sflag:$0x1] =	stream.indirect.gather [hbm4b:s4+s22], $0x80, s21, s22, $0x40b8;
	[tilespmem:$0x1F800] =	vst v63  }
0xc6: {  	(ifvalue) =	ssetifvalue $0x40000000  }
0xc7: {  	s21 =	simm.s32 $0x80;
	(ifvalue) =	ssetifvalue $0x40000000  }
0xc8: {  	[tilespmem:s24], [sflag:$0x1] =	stream.indirect.gather [hbm4b:s4+s22], $0x80, s21, s22, $0x40b8;
	[tilespmem:$0x1F800] =	vst v63  }
0xc9: {  	(ifvalue) =	ssetifvalue $0x40000000  }
0xca: {  	s21 =	simm.s32 $0x100;
	(ifvalue) =	ssetifvalue $0x40000000  }
0xcb: {  	[tilespmem:s25], [sflag:$0x1] =	stream.indirect.gather [hbm4b:s4+s22], $0x80, s21, s22, $0x40b8;
	[tilespmem:$0x1F800] =	vst v63  }
0xcc: {  	(ifvalue) =	ssetifvalue $0x40000000  }
0xcd: {  	s21 =	simm.s32 $0x180;
	(ifvalue) =	ssetifvalue $0x40000000  }
0xce: {  	[tilespmem:s26], [sflag:$0x1] =	stream.indirect.gather [hbm4b:s4+s22], $0x80, s21, s22, $0x40b8;
	[tilespmem:$0x1F800] =	vst v63  }
0xcf: {  	_ =	swait.ge [sflag:s28], $0x4000  }
0xd0: {  	[sflag:s28] =	ssyncset.done $0x0  }
0xd1: {  	[sflag:s28] =	ssyncadd.s32 $0xFFFFC000  }
0xd2: {  	_ =	swait.ge [sflag:s28], $0x4000  }
0xd3: {  	[sflag:s28] =	ssyncset.done $0x0  }
0xd4: {  	[sflag:s28] =	ssyncadd.s32 $0xFFFFC000  }
0xd5: {  	_ =	swait.ge [sflag:s28], $0x4000  }
0xd6: {  	[sflag:s28] =	ssyncset.done $0x0  }
0xd7: {  	[sflag:s28] =	ssyncadd.s32 $0xFFFFC000  }
0xd8: {  	_ =	swait.ge [sflag:s28], $0x4000  }
0xd9: {  	[sflag:s28] =	ssyncset.done $0x0  }
0xda: {  	s21 =	simm.s32 $0x5000;
	[sflag:s28] =	ssyncadd.s32 $0xFFFFC000;
	(ifvalue) =	ssetifvalue $0x40000000  }
0xdb: {  	[spmem:s1] =	stream.indirect.scatter.add.f32 [tilespmem:s23], [sflag:$0x2], $0x80, s21, s22, $0x40b8;
	[tilespmem:$0x1F800] =	vst v63  }
0xdc: {  	_ =	swait.ge [sflag:s20], $0x4000  }
0xdd: {  	[sflag:s20] =	ssyncset.done $0x0  }
0xde: {  	s21 =	simm.s32 $0x5080;
	[sflag:s20] =	ssyncadd.s32 $0xFFFFC000;
	(ifvalue) =	ssetifvalue $0x40000000  }
0xdf: {  	[spmem:s1] =	stream.indirect.scatter.add.f32 [tilespmem:s24], [sflag:$0x2], $0x80, s21, s22, $0x40b8;
	[tilespmem:$0x1F800] =	vst v63  }
0xe0: {  	_ =	swait.ge [sflag:s20], $0x4000  }
0xe1: {  	[sflag:s20] =	ssyncset.done $0x0  }
0xe2: {  	s21 =	simm.s32 $0x5100;
	[sflag:s20] =	ssyncadd.s32 $0xFFFFC000;
	(ifvalue) =	ssetifvalue $0x40000000  }
0xe3: {  	[spmem:s1] =	stream.indirect.scatter.add.f32 [tilespmem:s25], [sflag:$0x2], $0x80, s21, s22, $0x40b8;
	[tilespmem:$0x1F800] =	vst v63  }
0xe4: {  	_ =	swait.ge [sflag:s20], $0x4000  }
0xe5: {  	[sflag:s20] =	ssyncset.done $0x0  }
0xe6: {  	s21 =	simm.s32 $0x5180;
	[sflag:s20] =	ssyncadd.s32 $0xFFFFC000;
	(ifvalue) =	ssetifvalue $0x40000000  }
0xe7: {  	[spmem:s1] =	stream.indirect.scatter.add.f32 [tilespmem:s26], [sflag:$0x2], $0x80, s21, s22, $0x40b8;
	[tilespmem:$0x1F800] =	vst v63  }
0xe8: {  	s30 =	simm.s32 $0x200;
	_ =	swait.ge [sflag:s20], $0x4000  }
0xe9: {  	s31 =	simm.s32 $0x1000;
	(ifvalue) =	ssetifvalue $0x40000000;
	[sflag:s20] =	ssyncset.done $0x0  }
.LBB2_2:
0xea: {  	s0 =	sshra.s32 s31, $0x2;
	(ifvalue) =	ssetifvalue $0x40000000;
	[sflag:s20] =	ssyncadd.s32 $0xFFFFC000  }
0xeb: {  	[tilespmem:s23], [sflag:$0x1] =	stream.indirect.gather [hbm4b:s4+s22], $0x80, s30, s22, $0x40b8;
	[tilespmem:$0x1F800] =	vst v63  }
0xec: {  	p0 =	sne.s32 s31, $0x13800;
	s31 =	sadd.s32 $0x800, s31;
	(ifvalue) =	ssetifvalue $0x40000000  }
0xed: {  	s21 =	sadd.s32 $0x80, s30;
	(ifvalue) =	ssetifvalue $0x40000000  }
0xee: {  	[tilespmem:s24], [sflag:$0x1] =	stream.indirect.gather [hbm4b:s4+s22], $0x80, s21, s22, $0x40b8;
	[tilespmem:$0x1F800] =	vst v63  }
0xef: {  	(ifvalue) =	ssetifvalue $0x40000000  }
0xf0: {  	s21 =	sadd.s32 $0x100, s30;
	(ifvalue) =	ssetifvalue $0x40000000  }
0xf1: {  	[tilespmem:s25], [sflag:$0x1] =	stream.indirect.gather [hbm4b:s4+s22], $0x80, s21, s22, $0x40b8;
	[tilespmem:$0x1F800] =	vst v63  }
0xf2: {  	(ifvalue) =	ssetifvalue $0x40000000  }
0xf3: {  	s21 =	sadd.s32 $0x180, s30;
	(ifvalue) =	ssetifvalue $0x40000000  }
0xf4: {  	[tilespmem:s26], [sflag:$0x1] =	stream.indirect.gather [hbm4b:s4+s22], $0x80, s21, s22, $0x40b8;
	[tilespmem:$0x1F800] =	vst v63  }
0xf5: {  	_ =	swait.ge [sflag:s28], $0x4000  }
0xf6: {  	[sflag:s28] =	ssyncset.done $0x0  }
0xf7: {  	[sflag:s28] =	ssyncadd.s32 $0xFFFFC000  }
0xf8: {  	_ =	swait.ge [sflag:s28], $0x4000  }
0xf9: {  	[sflag:s28] =	ssyncset.done $0x0  }
0xfa: {  	[sflag:s28] =	ssyncadd.s32 $0xFFFFC000  }
0xfb: {  	_ =	swait.ge [sflag:s28], $0x4000  }
0xfc: {  	[sflag:s28] =	ssyncset.done $0x0  }
0xfd: {  	[sflag:s28] =	ssyncadd.s32 $0xFFFFC000  }
0xfe: {  	_ =	swait.ge [sflag:s28], $0x4000  }
0xff: {  	[sflag:s28] =	ssyncset.done $0x0  }
0x100: {  	[sflag:s28] =	ssyncadd.s32 $0xFFFFC000  }
0x101: {  	s21 =	sadd.s32 $0x5000, s30;
	(ifvalue) =	ssetifvalue $0x40000000  }
0x102: {  	[spmem:s1] =	stream.indirect.scatter.add.f32 [tilespmem:s23], [sflag:$0x2], $0x80, s21, s22, $0x40b8;
	[tilespmem:$0x1F800] =	vst v63  }
0x103: {  	_ =	swait.ge [sflag:s20], $0x4000  }
0x104: {  	[sflag:s20] =	ssyncset.done $0x0  }
0x105: {  	[sflag:s20] =	ssyncadd.s32 $0xFFFFC000  }
0x106: {  	s21 =	sadd.s32 $0x5080, s30;
	(ifvalue) =	ssetifvalue $0x40000000  }
0x107: {  	[spmem:s1] =	stream.indirect.scatter.add.f32 [tilespmem:s24], [sflag:$0x2], $0x80, s21, s22, $0x40b8;
	[tilespmem:$0x1F800] =	vst v63  }
0x108: {  	_ =	swait.ge [sflag:s20], $0x4000  }
0x109: {  	[sflag:s20] =	ssyncset.done $0x0  }
0x10a: {  	[sflag:s20] =	ssyncadd.s32 $0xFFFFC000  }
0x10b: {  	s21 =	sadd.s32 $0x5100, s30;
	(ifvalue) =	ssetifvalue $0x40000000  }
0x10c: {  	[spmem:s1] =	stream.indirect.scatter.add.f32 [tilespmem:s25], [sflag:$0x2], $0x80, s21, s22, $0x40b8;
	[tilespmem:$0x1F800] =	vst v63  }
0x10d: {  	_ =	swait.ge [sflag:s20], $0x4000  }
0x10e: {  	[sflag:s20] =	ssyncset.done $0x0  }
.Ltmp0:
0x10f: {  	[sflag:s20] =	ssyncadd.s32 $0xFFFFC000;
	(pc) =	sbr.rel @p0 .LBB2_2-.Ltmp0, $4  }
0x110: {  	s21 =	sadd.s32 $0x5180, s30;
	s30 =	smov.u32 s0;
	(ifvalue) =	ssetifvalue $0x40000000  }
0x111: {  	[spmem:s1] =	stream.indirect.scatter.add.f32 [tilespmem:s26], [sflag:$0x2], $0x80, s21, s22, $0x40b8;
	[tilespmem:$0x1F800] =	vst v63  }
0x112: {  	_ =	swait.ge [sflag:s20], $0x4000  }
0x113: {  	(ifvalue) =	ssetifvalue $0x40000000;
	[sflag:s20] =	ssyncset.done $0x0  }
0x114: {  	(ifvalue) =	ssetifvalue $0x40000000;
	[sflag:s20] =	ssyncadd.s32 $0xFFFFC000  }
0x115: {  	[tilespmem:s23], [sflag:$0x1] =	stream.indirect.gather [hbm4b:s4+s22], $0x80, s30, s22, $0x40b8;
	[tilespmem:$0x1F800] =	vst v63  }
0x116: {  	(ifvalue) =	ssetifvalue $0x40000000  }
0x117: {  	s0 =	sadd.s32 $0x80, s30;
	(ifvalue) =	ssetifvalue $0x40000000  }
0x118: {  	[tilespmem:s24], [sflag:$0x1] =	stream.indirect.gather [hbm4b:s4+s22], $0x80, s0, s22, $0x40b8;
	[tilespmem:$0x1F800] =	vst v63  }
0x119: {  	(ifvalue) =	ssetifvalue $0x40000000  }
0x11a: {  	s21 =	sadd.s32 $0x100, s30;
	(ifvalue) =	ssetifvalue $0x40000000  }
0x11b: {  	[tilespmem:s25], [sflag:$0x1] =	stream.indirect.gather [hbm4b:s4+s22], $0x80, s21, s22, $0x40b8;
	[tilespmem:$0x1F800] =	vst v63  }
0x11c: {  	(ifvalue) =	ssetifvalue $0x40000000  }
0x11d: {  	s31 =	sadd.s32 $0x180, s30;
	(ifvalue) =	ssetifvalue $0x40000000  }
0x11e: {  	[tilespmem:s26], [sflag:$0x1] =	stream.indirect.gather [hbm4b:s4+s22], $0x80, s31, s22, $0x40b8;
	[tilespmem:$0x1F800] =	vst v63  }
0x11f: {  	_ =	swait.ge [sflag:s28], $0x4000  }
0x120: {  	[sflag:s28] =	ssyncset.done $0x0  }
0x121: {  	[sflag:s28] =	ssyncadd.s32 $0xFFFFC000  }
0x122: {  	_ =	swait.ge [sflag:s28], $0x4000  }
0x123: {  	[sflag:s28] =	ssyncset.done $0x0  }
0x124: {  	[sflag:s28] =	ssyncadd.s32 $0xFFFFC000  }
0x125: {  	_ =	swait.ge [sflag:s28], $0x4000  }
0x126: {  	[sflag:s28] =	ssyncset.done $0x0  }
0x127: {  	[sflag:s28] =	ssyncadd.s32 $0xFFFFC000  }
0x128: {  	_ =	swait.ge [sflag:s28], $0x4000  }
0x129: {  	[sflag:s28] =	ssyncset.done $0x0  }
0x12a: {  	s21 =	sadd.s32 $0x5000, s30;
	[sflag:s28] =	ssyncadd.s32 $0xFFFFC000;
	(ifvalue) =	ssetifvalue $0x40000000  }
0x12b: {  	[spmem:s1] =	stream.indirect.scatter.add.f32 [tilespmem:s23], [sflag:$0x2], $0x80, s21, s22, $0x40b8;
	[tilespmem:$0x1F800] =	vst v63  }
0x12c: {  	_ =	swait.ge [sflag:s20], $0x4000  }
0x12d: {  	[sflag:s20] =	ssyncset.done $0x0  }
0x12e: {  	s31 =	sadd.s32 $0x5080, s30;
	[sflag:s20] =	ssyncadd.s32 $0xFFFFC000;
	(ifvalue) =	ssetifvalue $0x40000000  }
0x12f: {  	[spmem:s1] =	stream.indirect.scatter.add.f32 [tilespmem:s24], [sflag:$0x2], $0x80, s31, s22, $0x40b8;
	[tilespmem:$0x1F800] =	vst v63  }
0x130: {  	_ =	swait.ge [sflag:s20], $0x4000  }
0x131: {  	[sflag:s20] =	ssyncset.done $0x0  }
0x132: {  	s21 =	sadd.s32 $0x5100, s30;
	[sflag:s20] =	ssyncadd.s32 $0xFFFFC000;
	(ifvalue) =	ssetifvalue $0x40000000  }
0x133: {  	[spmem:s1] =	stream.indirect.scatter.add.f32 [tilespmem:s25], [sflag:$0x2], $0x80, s21, s22, $0x40b8;
	[tilespmem:$0x1F800] =	vst v63  }
0x134: {  	_ =	swait.ge [sflag:s20], $0x4000  }
0x135: {  	[sflag:s20] =	ssyncset.done $0x0  }
0x136: {  	s30 =	sadd.s32 $0x5180, s30;
	[sflag:s20] =	ssyncadd.s32 $0xFFFFC000;
	(ifvalue) =	ssetifvalue $0x40000000  }
0x137: {  	[spmem:s1] =	stream.indirect.scatter.add.f32 [tilespmem:s26], [sflag:$0x2], $0x80, s30, s22, $0x40b8;
	[tilespmem:$0x1F800] =	vst v63  }
0x138: {  	_ =	swait.ge [sflag:s20], $0x4000  }
0x139: {  	s29 =	sadd.s32 $0x1, s29;
	s31 =	sshll.u32 s2, $0x6;
	[sflag:s20] =	ssyncset.done $0x0  }
0x13a: {  	p0 =	sne.s32 s29, s9;
	s0 =	sor.u32 $0x1C02, s31;
	[sflag:s20] =	ssyncadd.s32 $0xFFFFC000  }
.Ltmp1:
0x13b: {  	s21 =	sshrl.u32 s5, $0x3;
	[bflag:$0x0] =	sbarrier.arrive $0xFFFF;
	(pc) =	sbr.rel @p0 .LBB2_1-.Ltmp1, $4  }
0x13c: {  	[hbm:s8], [sflag:s0] =	dma.local [spmem:s21], $0xA00  }
0x13d: {  	_ =	swait.ge [sflag:s20], $0xA00  }
0x13e: {  	[sflag:s20] =	ssyncset.done $0x0  }
0x13f: {  	[sflag:s20] =	ssyncadd.s32 $0xFFFFF600  }
0x140: {  	_ =	sfence.sel $0x180000  }
0x141: {  	[bflag:$0x0] =	sbarrier.arrive $0xFFFF  }
0x142: {  	_ =	strace $0x90000047  }
0x143: {  	[bflag:$0x2] =	sbarrier.arrive $0xFFFF  }
0x144: {  	p0 =	sne.s32 s2, $0x0;
	s0 =	rddreg [dreg:$0x4]  }
0x145: {  	s0 =	sadd.s32 @!p0 $0x100000, s0  }
0x146: {  	[sflag:s0] =	ssyncadd.tile.s32 @!p0 $0x1;
	_ =	shalt  }
.Lfunc_end2:
_tile_overlayer_lowered:
.L_overlay_start_2:
0x147: {  	(tag) =	ssettag $0x2  }
0x148: {  	s0 =	rddreg [dreg:$0x0];
	s2 =	stileid.u32  }
0x149: {  	s1 =	rddreg [dreg:$0x1];
	p0 =	sne.s32 s2, $0x0  }
0x14a: {  	s3 =	rddreg [dreg:$0x2];
	[bflag:$0x3] =	sbarrier.arrive $0xFFFF;
	s2 =	simm.s32 @!p0 $0x1C02  }
0x14b: {  	[timem:s3], [sflag:s2] =	dma.local @!p0 [hbm:s0], s1  }
0x14c: {  	s0 =	simm.s32 @!p0 $0x2  }
0x14d: {  	_ =	swait.ge @!p0 [sflag:s0], s1  }
0x14e: {  	s1 =	ssub.s32 @!p0 $0x0, s1;
	[sflag:s0] =	ssyncset.done @!p0 $0x0  }
0x14f: {  	[sflag:s0] =	ssyncadd.s32 @!p0 s1  }
0x150: {  	[bflag:$0x3] =	sbarrier.arrive $0xFFFF  }
0x151: {  	_ =	shalt  }

</sc_bundles>
